<compile_context>
chip_gen: v7x
topology: tpu7x:2x2x1
jax: 0.10.2.dev20260603
libtpu: 0.0.44.dev20260713+nightly
codegen_flags: <defaults>
</compile_context>

<pallas_src>
import functools

import jax
import jax.numpy as jnp
from jax import lax
from jax.experimental import pallas as pl
from jax.experimental.pallas import tpu as pltpu
from jax.experimental.pallas import tpu_sc as plsc

WALK = 10
E = 128
B = 16384
NC = 2
NS = 16
NW = NC * NS
C = 128
K = 4

IN_CH = B // (NW * C)
POS_CH = B * WALK // (NW * C)
NEG_CH = B * WALK * 5 // (NW * C)

_MESH = plsc.VectorSubcoreMesh(core_axis_name="c", subcore_axis_name="s")


def _posneg_body(pos_idx, neg_idx, w_out, o_pos, o_neg, w_out_sh,
                 pos_v, neg_v, b0, b1, b2, b3, g0, g1, g2, g3,
                 s0, s1, s2, s3):
    bufs = (b0, b1, b2, b3)
    gsems = (g0, g1, g2, g3)
    ssems = (s0, s1, s2, s3)
    sid = lax.axis_index("s")
    wid = sid * NC + lax.axis_index("c")

    @pl.when(sid == 0)
    def _():
        pltpu.sync_copy(w_out, w_out_sh)

    pltpu.sync_copy(pos_idx.at[wid], pos_v)
    pltpu.sync_copy(neg_idx.at[wid], neg_v)
    plsc.subcore_barrier()

    def drain_scatter(b, out):
        pltpu.make_async_copy(bufs[b], out.at[pl.ds(0, C)], ssems[b]).wait()

    def run_phase(idx_v, out, nch, base_row):
        ngrp = nch // K

        def group(i, carry):
            gh = []
            for b in range(K):
                @pl.when(i != 0)
                def _(b=b):
                    drain_scatter(b, out)
                gh.append(pltpu.async_copy(
                    w_out_sh.at[idx_v.at[i * K + b]], bufs[b], gsems[b]))
            for b in range(K):
                gh[b].wait()
                row0 = base_row + (i * K + b) * C
                pltpu.async_copy(bufs[b], out.at[pl.ds(row0, C)], ssems[b])
            return carry

        lax.fori_loop(0, ngrp, group, 0)
        for b in range(K):
            drain_scatter(b, out)

    run_phase(pos_v, o_pos, POS_CH, wid * POS_CH * C)
    run_phase(neg_v, o_neg, NEG_CH, wid * NEG_CH * C)


_posneg = functools.partial(
    pl.kernel,
    mesh=_MESH,
    out_type=(
        jax.ShapeDtypeStruct((B * WALK, E), jnp.float32),
        jax.ShapeDtypeStruct((B * WALK * 5, E), jnp.float32),
    ),
    scratch_types=[
        pltpu.VMEM_SHARED((2405, E), jnp.float32),
        pltpu.VMEM((POS_CH, C), jnp.int32),
        pltpu.VMEM((NEG_CH, C), jnp.int32),
    ] + [pltpu.VMEM((C, E), jnp.float32) for _ in range(K)]
      + [pltpu.SemaphoreType.DMA for _ in range(2 * K)],
)(_posneg_body)


VPAD = 2432
TGB = 2048


def _tile_body(idx_ref, w_ref, out_ref, emb_ref):
    @pl.when(pl.program_id(1) == 0)
    def _():
        idx = idx_ref[0, 0, :]
        iota = lax.broadcasted_iota(jnp.int32, (TGB, VPAD), 1)
        oh = (idx[:, None] == iota).astype(jnp.float32)
        emb_ref[...] = jnp.dot(oh, w_ref[...],
                               precision=lax.Precision.HIGHEST,
                               preferred_element_type=jnp.float32)
    out_ref[...] = emb_ref[...]


_tile = pl.pallas_call(
    _tile_body,
    grid=(B // TGB, WALK),
    in_specs=[
        pl.BlockSpec((1, 1, TGB), lambda j, k: (j, 0, 0)),
        pl.BlockSpec((VPAD, E), lambda j, k: (0, 0)),
    ],
    out_specs=pl.BlockSpec((TGB, E), lambda j, k: (k * (B // TGB) + j, 0)),
    out_shape=jax.ShapeDtypeStruct((B * WALK, E), jnp.float32),
    scratch_shapes=[pltpu.VMEM((TGB, E), jnp.float32)],
)


def kernel(input_labels, pos_labels, neg_labels, W_in, W_out):
    pos_idx = pos_labels.reshape(NW, POS_CH, C).astype(jnp.int32)
    neg_idx = neg_labels.reshape(NW, NEG_CH, C).astype(jnp.int32)
    out_pos, out_neg = _posneg(pos_idx, neg_idx, W_out)
    tc_idx = input_labels.reshape(B // TGB, 1, TGB).astype(jnp.int32)
    w_in_pad = jnp.pad(W_in, ((0, VPAD - W_in.shape[0]), (0, 0)))
    out_in = _tile(tc_idx, w_in_pad)
    return out_in, out_pos, out_neg

# --- scband reference (transcript-rebuilt; emitter-appended) ---
"""Pipeline reference for scband-embedding-vec-67740224193324 (READ-ONLY COPY).

The authoritative reference and input builder live on the scoring server;
editing this copy changes nothing except your own understanding.
"""

import jax, jax.numpy as jnp
import numpy as np

walk_len = 10
IN_SIZE = 2405
EMB_SIZE = 128


def setup_inputs(seed: int = 0) -> dict:
    key = jax.random.key(seed)
    k1, k2, k3, k4, k5 = jax.random.split(key, 5)
    input_labels = jax.random.randint(k1, (16384,), 0, IN_SIZE, dtype=jnp.int64 if jax.config.jax_enable_x64 else jnp.int32)
    pos_labels = jax.random.randint(k2, (16384, walk_len), 0, IN_SIZE, dtype=jnp.int64 if jax.config.jax_enable_x64 else jnp.int32)
    neg_labels = jax.random.randint(k3, (16384, walk_len * 5), 0, IN_SIZE, dtype=jnp.int64 if jax.config.jax_enable_x64 else jnp.int32)
    # learned parameters: two embedding tables (nn.Embedding default init ~ N(0,1))
    W_in = jax.random.normal(k4, (IN_SIZE, EMB_SIZE), dtype=jnp.float32)
    W_out = jax.random.normal(k5, (IN_SIZE, EMB_SIZE), dtype=jnp.float32)
    return {
        "input_labels": input_labels,
        "pos_labels": pos_labels,
        "neg_labels": neg_labels,
        "W_in": W_in,
        "W_out": W_out,
    }


def reference(input_labels, pos_labels, neg_labels, W_in, W_out):
    # in_emb(input_labels)
    input_emb = jnp.take(W_in, input_labels, axis=0)          # [B, E]
    # out_emb(pos_labels), out_emb(neg_labels)
    pos_emb = jnp.take(W_out, pos_labels, axis=0)             # [B, walk_len, E]
    neg_emb = jnp.take(W_out, neg_labels, axis=0)             # [B, walk_len*5, E]
    # input_emb.repeat(walk_len, 1)  (torch repeat == tile)
    input_emb = jnp.tile(input_emb, (walk_len, 1))            # [walk_len*B, E]
    pos_emb = pos_emb.reshape(-1, EMB_SIZE)                   # [B*walk_len, E]
    neg_emb = neg_emb.reshape(-1, EMB_SIZE)                   # [B*walk_len*5, E]
    return (input_emb, pos_emb, neg_emb)

if __name__ == "__main__":
    import jax
    _d = setup_inputs()
    print(jax.jit(kernel)(*tuple(_d.values())))

</pallas_src>

<mosaic_0001>
#map = affine_map<(d0, d1) -> (0, 0, 0)>
#map1 = affine_map<(d0, d1) -> (0, 0)>
module attributes {stable_mosaic.version = 14 : i64} {
  func.func @_posneg_body(%arg0: i32, %arg1: i32, %arg2: memref<32x40x128xi32, #tpu.memory_space<hbm>>, %arg3: memref<32x200x128xi32, #tpu.memory_space<hbm>>, %arg4: memref<2405x128xf32, #tpu.memory_space<hbm>>, %arg5: memref<163840x128xf32, #tpu.memory_space<hbm>>, %arg6: memref<819200x128xf32, #tpu.memory_space<hbm>>, %arg7: memref<2405x128xf32, #tpu.memory_space<vmem_shared>>, %arg8: memref<40x128xi32, #tpu.memory_space<vmem>>, %arg9: memref<200x128xi32, #tpu.memory_space<vmem>>, %arg10: memref<128x128xf32, #tpu.memory_space<vmem>>, %arg11: memref<128x128xf32, #tpu.memory_space<vmem>>, %arg12: memref<128x128xf32, #tpu.memory_space<vmem>>, %arg13: memref<128x128xf32, #tpu.memory_space<vmem>>, %arg14: memref<!tpu.dma_semaphore, #tpu.memory_space<semaphore_mem>>, %arg15: memref<!tpu.dma_semaphore, #tpu.memory_space<semaphore_mem>>, %arg16: memref<!tpu.dma_semaphore, #tpu.memory_space<semaphore_mem>>, %arg17: memref<!tpu.dma_semaphore, #tpu.memory_space<semaphore_mem>>, %arg18: memref<!tpu.dma_semaphore, #tpu.memory_space<semaphore_mem>>, %arg19: memref<!tpu.dma_semaphore, #tpu.memory_space<semaphore_mem>>, %arg20: memref<!tpu.dma_semaphore, #tpu.memory_space<semaphore_mem>>, %arg21: memref<!tpu.dma_semaphore, #tpu.memory_space<semaphore_mem>>) attributes {dimension_semantics = [#tpu.dimension_semantics<core_parallel>, #tpu.dimension_semantics<subcore_parallel>], iteration_bounds = array<i64: 2, 16>, scalar_prefetch = 0 : i64, scratch_operands = 15 : i64, tpu.core_type = #tpu.core_type<sc_vector_subcore>, window_params = [{transform_indices = #map}, {transform_indices = #map}, {transform_indices = #map1}, {transform_indices = #map1}, {transform_indices = #map1}]} {
    %mul3A = arith.constant 2 : i32
    %mul3A_0 = arith.muli %arg1, %mul3A : i32
    %add3A = arith.addi %mul3A_0, %arg0 : i32
    %eq3A = arith.constant 0 : i32
    %eq3A_1 = arith.cmpi eq, %arg1, %eq3A : i32
    %convert_element_type3A = arith.extui %eq3A_1 : i1 to i32
    %cond3A = arith.constant 0 : i32
    %cond3A_2 = arith.cmpi ne, %convert_element_type3A, %cond3A : i32
    scf.if %cond3A_2 {
      "tpu.region"() ({
        %run_scoped3A = tpu.sem_alloc : memref<!tpu.dma_semaphore, #tpu.memory_space<semaphore_mem>>
        tpu.enqueue_dma source(%arg4 : memref<2405x128xf32, #tpu.memory_space<hbm>>) target(%arg7 : memref<2405x128xf32, #tpu.memory_space<vmem_shared>>) target_semaphore(%run_scoped3A : memref<!tpu.dma_semaphore, #tpu.memory_space<semaphore_mem>>)
        tpu.wait_dma2 semaphore(%run_scoped3A : memref<!tpu.dma_semaphore, #tpu.memory_space<semaphore_mem>>) src(%arg4 : memref<2405x128xf32, #tpu.memory_space<hbm>>) dst(%arg7 : memref<2405x128xf32, #tpu.memory_space<vmem_shared>>)
        tpu.yield
      }) : () -> ()
    } else {
    }
    "tpu.region"() ({
      %run_scoped3A = tpu.sem_alloc : memref<!tpu.dma_semaphore, #tpu.memory_space<semaphore_mem>>
      %dma_start3A = arith.constant 0 : i32
      %dma_start3A_69 = arith.constant 0 : i32
      %dma_start3A_70 = tpu.memref_slice %arg2[%add3A, %dma_start3A, %dma_start3A_69] : memref<32x40x128xi32, #tpu.memory_space<hbm>> -> memref<1x40x128xi32, #tpu.memory_space<hbm>>
      %dma_start3A_71 = tpu.memref_squeeze %dma_start3A_70 : memref<1x40x128xi32, #tpu.memory_space<hbm>> -> memref<40x128xi32, #tpu.memory_space<hbm>>
      %dma_start3A_72 = arith.constant 0 : i32
      %dma_start3A_73 = arith.constant 0 : i32
      %dma_start3A_74 = tpu.memref_slice %arg2[%add3A, %dma_start3A_72, %dma_start3A_73] : memref<32x40x128xi32, #tpu.memory_space<hbm>> -> memref<1x40x128xi32, #tpu.memory_space<hbm>>
      %dma_start3A_75 = tpu.memref_squeeze %dma_start3A_74 : memref<1x40x128xi32, #tpu.memory_space<hbm>> -> memref<40x128xi32, #tpu.memory_space<hbm>>
      tpu.enqueue_dma source(%dma_start3A_75 : memref<40x128xi32, #tpu.memory_space<hbm>>) target(%arg8 : memref<40x128xi32, #tpu.memory_space<vmem>>) target_semaphore(%run_scoped3A : memref<!tpu.dma_semaphore, #tpu.memory_space<semaphore_mem>>)
      %dma_wait3A_76 = arith.constant 0 : i32
      %dma_wait3A_77 = arith.constant 0 : i32
      %dma_wait3A_78 = tpu.memref_slice %arg2[%add3A, %dma_wait3A_76, %dma_wait3A_77] : memref<32x40x128xi32, #tpu.memory_space<hbm>> -> memref<1x40x128xi32, #tpu.memory_space<hbm>>
      %dma_wait3A_79 = tpu.memref_squeeze %dma_wait3A_78 : memref<1x40x128xi32, #tpu.memory_space<hbm>> -> memref<40x128xi32, #tpu.memory_space<hbm>>
      %dma_wait3A_80 = arith.constant 0 : i32
      %dma_wait3A_81 = arith.constant 0 : i32
      %dma_wait3A_82 = tpu.memref_slice %arg2[%add3A, %dma_wait3A_80, %dma_wait3A_81] : memref<32x40x128xi32, #tpu.memory_space<hbm>> -> memref<1x40x128xi32, #tpu.memory_space<hbm>>
      %dma_wait3A_83 = tpu.memref_squeeze %dma_wait3A_82 : memref<1x40x128xi32, #tpu.memory_space<hbm>> -> memref<40x128xi32, #tpu.memory_space<hbm>>
      tpu.wait_dma2 semaphore(%run_scoped3A : memref<!tpu.dma_semaphore, #tpu.memory_space<semaphore_mem>>) src(%dma_wait3A_83 : memref<40x128xi32, #tpu.memory_space<hbm>>) dst(%arg8 : memref<40x128xi32, #tpu.memory_space<vmem>>)
      tpu.yield
    }) : () -> ()
    "tpu.region"() ({
      %run_scoped3A = tpu.sem_alloc : memref<!tpu.dma_semaphore, #tpu.memory_space<semaphore_mem>>
      %dma_start3A = arith.constant 0 : i32
      %dma_start3A_69 = arith.constant 0 : i32
      %dma_start3A_70 = tpu.memref_slice %arg3[%add3A, %dma_start3A, %dma_start3A_69] : memref<32x200x128xi32, #tpu.memory_space<hbm>> -> memref<1x200x128xi32, #tpu.memory_space<hbm>>
      %dma_start3A_71 = tpu.memref_squeeze %dma_start3A_70 : memref<1x200x128xi32, #tpu.memory_space<hbm>> -> memref<200x128xi32, #tpu.memory_space<hbm>>
      %dma_start3A_72 = arith.constant 0 : i32
      %dma_start3A_73 = arith.constant 0 : i32
      %dma_start3A_74 = tpu.memref_slice %arg3[%add3A, %dma_start3A_72, %dma_start3A_73] : memref<32x200x128xi32, #tpu.memory_space<hbm>> -> memref<1x200x128xi32, #tpu.memory_space<hbm>>
      %dma_start3A_75 = tpu.memref_squeeze %dma_start3A_74 : memref<1x200x128xi32, #tpu.memory_space<hbm>> -> memref<200x128xi32, #tpu.memory_space<hbm>>
      tpu.enqueue_dma source(%dma_start3A_75 : memref<200x128xi32, #tpu.memory_space<hbm>>) target(%arg9 : memref<200x128xi32, #tpu.memory_space<vmem>>) target_semaphore(%run_scoped3A : memref<!tpu.dma_semaphore, #tpu.memory_space<semaphore_mem>>)
      %dma_wait3A_76 = arith.constant 0 : i32
      %dma_wait3A_77 = arith.constant 0 : i32
      %dma_wait3A_78 = tpu.memref_slice %arg3[%add3A, %dma_wait3A_76, %dma_wait3A_77] : memref<32x200x128xi32, #tpu.memory_space<hbm>> -> memref<1x200x128xi32, #tpu.memory_space<hbm>>
      %dma_wait3A_79 = tpu.memref_squeeze %dma_wait3A_78 : memref<1x200x128xi32, #tpu.memory_space<hbm>> -> memref<200x128xi32, #tpu.memory_space<hbm>>
      %dma_wait3A_80 = arith.constant 0 : i32
      %dma_wait3A_81 = arith.constant 0 : i32
      %dma_wait3A_82 = tpu.memref_slice %arg3[%add3A, %dma_wait3A_80, %dma_wait3A_81] : memref<32x200x128xi32, #tpu.memory_space<hbm>> -> memref<1x200x128xi32, #tpu.memory_space<hbm>>
      %dma_wait3A_83 = tpu.memref_squeeze %dma_wait3A_82 : memref<1x200x128xi32, #tpu.memory_space<hbm>> -> memref<200x128xi32, #tpu.memory_space<hbm>>
      tpu.wait_dma2 semaphore(%run_scoped3A : memref<!tpu.dma_semaphore, #tpu.memory_space<semaphore_mem>>) src(%dma_wait3A_83 : memref<200x128xi32, #tpu.memory_space<hbm>>) dst(%arg9 : memref<200x128xi32, #tpu.memory_space<vmem>>)
      tpu.yield
    }) : () -> ()
    %barrier3A = arith.constant 0 : index
    tpu.barrier barrier_id(%barrier3A)
    %mul3A_3 = arith.constant 40 : i32
    %mul3A_4 = arith.muli %add3A, %mul3A_3 : i32
    %mul3A_5 = arith.constant 128 : i32
    %mul3A_6 = arith.muli %mul3A_4, %mul3A_5 : i32
    %scan3A = arith.constant 0 : i32
    %scan3A_7 = arith.constant 0 : i32
    %scan3A_8 = arith.constant 10 : i32
    %scan3A_9 = arith.addi %scan3A_7, %scan3A_8 : i32
    %scan3A_10 = arith.constant 1 : i32
    scf.for %scan3A_69 = %scan3A_7 to %scan3A_9 step %scan3A_10  : i32 {
      %ne3A = arith.constant 0 : i32
      %ne3A_70 = arith.cmpi ne, %scan3A_69, %ne3A : i32
      %convert_element_type3A_71 = arith.extui %ne3A_70 : i1 to i32
      %cond3A_72 = arith.constant 0 : i32
      %cond3A_73 = arith.cmpi ne, %convert_element_type3A_71, %cond3A_72 : i32
      scf.if %cond3A_73 {
        %dma_wait3A_196 = arith.constant 0 : i32
        %dma_wait3A_197 = arith.constant 0 : i32
        %dma_wait3A_198 = tpu.memref_slice %arg5[%dma_wait3A_196, %dma_wait3A_197] : memref<163840x128xf32, #tpu.memory_space<hbm>> -> memref<128x128xf32, #tpu.memory_space<hbm>>
        %dma_wait3A_199 = arith.constant 0 : i32
        %dma_wait3A_200 = arith.constant 0 : i32
        %dma_wait3A_201 = tpu.memref_slice %arg5[%dma_wait3A_199, %dma_wait3A_200] : memref<163840x128xf32, #tpu.memory_space<hbm>> -> memref<128x128xf32, #tpu.memory_space<hbm>>
        tpu.wait_dma2 semaphore(%arg18 : memref<!tpu.dma_semaphore, #tpu.memory_space<semaphore_mem>>) src(%arg10 : memref<128x128xf32, #tpu.memory_space<vmem>>) dst(%dma_wait3A_201 : memref<128x128xf32, #tpu.memory_space<hbm>>)
      } else {
      }
      %mul3A_74 = arith.constant 4 : i32
      %mul3A_75 = arith.muli %scan3A_69, %mul3A_74 : i32
      %add3A_76 = arith.constant 0 : i32
      %add3A_77 = arith.addi %mul3A_75, %add3A_76 : i32
      %dma_start3A = arith.constant 0 : i32
      %dma_start3A_78 = tpu.memref_slice %arg8[%add3A_77, %dma_start3A] : memref<40x128xi32, #tpu.memory_space<vmem>> -> memref<1x128xi32, #tpu.memory_space<vmem>>
      %dma_start3A_79 = tpu.memref_squeeze %dma_start3A_78 : memref<1x128xi32, #tpu.memory_space<vmem>> -> memref<128xi32, #tpu.memory_space<vmem>>
      %dma_start3A_80 = arith.constant 0 : i32
      %dma_start3A_81 = arith.constant 0 : i32
      %dma_start3A_82 = tpu.memref_slice %arg7[%dma_start3A_80, %dma_start3A_81] : memref<2405x128xf32, #tpu.memory_space<vmem_shared>> -> memref<2405x128xf32, #tpu.memory_space<vmem_shared>>
      tpu.enqueue_indirect_dma source(%dma_start3A_82 : memref<2405x128xf32, #tpu.memory_space<vmem_shared>>) target(%arg10 : memref<128x128xf32, #tpu.memory_space<vmem>>) offsets(%dma_start3A_79 : memref<128xi32, #tpu.memory_space<vmem>>) semaphore(%arg14 : memref<!tpu.dma_semaphore, #tpu.memory_space<semaphore_mem>>)
      %ne3A_83 = arith.constant 0 : i32
      %ne3A_84 = arith.cmpi ne, %scan3A_69, %ne3A_83 : i32
      %convert_element_type3A_85 = arith.extui %ne3A_84 : i1 to i32
      %cond3A_86 = arith.constant 0 : i32
      %cond3A_87 = arith.cmpi ne, %convert_element_type3A_85, %cond3A_86 : i32
      scf.if %cond3A_87 {
        %dma_wait3A_196 = arith.constant 0 : i32
        %dma_wait3A_197 = arith.constant 0 : i32
        %dma_wait3A_198 = tpu.memref_slice %arg5[%dma_wait3A_196, %dma_wait3A_197] : memref<163840x128xf32, #tpu.memory_space<hbm>> -> memref<128x128xf32, #tpu.memory_space<hbm>>
        %dma_wait3A_199 = arith.constant 0 : i32
        %dma_wait3A_200 = arith.constant 0 : i32
        %dma_wait3A_201 = tpu.memref_slice %arg5[%dma_wait3A_199, %dma_wait3A_200] : memref<163840x128xf32, #tpu.memory_space<hbm>> -> memref<128x128xf32, #tpu.memory_space<hbm>>
        tpu.wait_dma2 semaphore(%arg19 : memref<!tpu.dma_semaphore, #tpu.memory_space<semaphore_mem>>) src(%arg11 : memref<128x128xf32, #tpu.memory_space<vmem>>) dst(%dma_wait3A_201 : memref<128x128xf32, #tpu.memory_space<hbm>>)
      } else {
      }
      %mul3A_88 = arith.constant 4 : i32
      %mul3A_89 = arith.muli %scan3A_69, %mul3A_88 : i32
      %add3A_90 = arith.constant 1 : i32
      %add3A_91 = arith.addi %mul3A_89, %add3A_90 : i32
      %dma_start3A_92 = arith.constant 0 : i32
      %dma_start3A_93 = tpu.memref_slice %arg8[%add3A_91, %dma_start3A_92] : memref<40x128xi32, #tpu.memory_space<vmem>> -> memref<1x128xi32, #tpu.memory_space<vmem>>
      %dma_start3A_94 = tpu.memref_squeeze %dma_start3A_93 : memref<1x128xi32, #tpu.memory_space<vmem>> -> memref<128xi32, #tpu.memory_space<vmem>>
      %dma_start3A_95 = arith.constant 0 : i32
      %dma_start3A_96 = arith.constant 0 : i32
      %dma_start3A_97 = tpu.memref_slice %arg7[%dma_start3A_95, %dma_start3A_96] : memref<2405x128xf32, #tpu.memory_space<vmem_shared>> -> memref<2405x128xf32, #tpu.memory_space<vmem_shared>>
      tpu.enqueue_indirect_dma source(%dma_start3A_97 : memref<2405x128xf32, #tpu.memory_space<vmem_shared>>) target(%arg11 : memref<128x128xf32, #tpu.memory_space<vmem>>) offsets(%dma_start3A_94 : memref<128xi32, #tpu.memory_space<vmem>>) semaphore(%arg15 : memref<!tpu.dma_semaphore, #tpu.memory_space<semaphore_mem>>)
      %ne3A_98 = arith.constant 0 : i32
      %ne3A_99 = arith.cmpi ne, %scan3A_69, %ne3A_98 : i32
      %convert_element_type3A_100 = arith.extui %ne3A_99 : i1 to i32
      %cond3A_101 = arith.constant 0 : i32
      %cond3A_102 = arith.cmpi ne, %convert_element_type3A_100, %cond3A_101 : i32
      scf.if %cond3A_102 {
        %dma_wait3A_196 = arith.constant 0 : i32
        %dma_wait3A_197 = arith.constant 0 : i32
        %dma_wait3A_198 = tpu.memref_slice %arg5[%dma_wait3A_196, %dma_wait3A_197] : memref<163840x128xf32, #tpu.memory_space<hbm>> -> memref<128x128xf32, #tpu.memory_space<hbm>>
        %dma_wait3A_199 = arith.constant 0 : i32
        %dma_wait3A_200 = arith.constant 0 : i32
        %dma_wait3A_201 = tpu.memref_slice %arg5[%dma_wait3A_199, %dma_wait3A_200] : memref<163840x128xf32, #tpu.memory_space<hbm>> -> memref<128x128xf32, #tpu.memory_space<hbm>>
        tpu.wait_dma2 semaphore(%arg20 : memref<!tpu.dma_semaphore, #tpu.memory_space<semaphore_mem>>) src(%arg12 : memref<128x128xf32, #tpu.memory_space<vmem>>) dst(%dma_wait3A_201 : memref<128x128xf32, #tpu.memory_space<hbm>>)
      } else {
      }
      %mul3A_103 = arith.constant 4 : i32
      %mul3A_104 = arith.muli %scan3A_69, %mul3A_103 : i32
      %add3A_105 = arith.constant 2 : i32
      %add3A_106 = arith.addi %mul3A_104, %add3A_105 : i32
      %dma_start3A_107 = arith.constant 0 : i32
      %dma_start3A_108 = tpu.memref_slice %arg8[%add3A_106, %dma_start3A_107] : memref<40x128xi32, #tpu.memory_space<vmem>> -> memref<1x128xi32, #tpu.memory_space<vmem>>
      %dma_start3A_109 = tpu.memref_squeeze %dma_start3A_108 : memref<1x128xi32, #tpu.memory_space<vmem>> -> memref<128xi32, #tpu.memory_space<vmem>>
      %dma_start3A_110 = arith.constant 0 : i32
      %dma_start3A_111 = arith.constant 0 : i32
      %dma_start3A_112 = tpu.memref_slice %arg7[%dma_start3A_110, %dma_start3A_111] : memref<2405x128xf32, #tpu.memory_space<vmem_shared>> -> memref<2405x128xf32, #tpu.memory_space<vmem_shared>>
      tpu.enqueue_indirect_dma source(%dma_start3A_112 : memref<2405x128xf32, #tpu.memory_space<vmem_shared>>) target(%arg12 : memref<128x128xf32, #tpu.memory_space<vmem>>) offsets(%dma_start3A_109 : memref<128xi32, #tpu.memory_space<vmem>>) semaphore(%arg16 : memref<!tpu.dma_semaphore, #tpu.memory_space<semaphore_mem>>)
      %ne3A_113 = arith.constant 0 : i32
      %ne3A_114 = arith.cmpi ne, %scan3A_69, %ne3A_113 : i32
      %convert_element_type3A_115 = arith.extui %ne3A_114 : i1 to i32
      %cond3A_116 = arith.constant 0 : i32
      %cond3A_117 = arith.cmpi ne, %convert_element_type3A_115, %cond3A_116 : i32
      scf.if %cond3A_117 {
        %dma_wait3A_196 = arith.constant 0 : i32
        %dma_wait3A_197 = arith.constant 0 : i32
        %dma_wait3A_198 = tpu.memref_slice %arg5[%dma_wait3A_196, %dma_wait3A_197] : memref<163840x128xf32, #tpu.memory_space<hbm>> -> memref<128x128xf32, #tpu.memory_space<hbm>>
        %dma_wait3A_199 = arith.constant 0 : i32
        %dma_wait3A_200 = arith.constant 0 : i32
        %dma_wait3A_201 = tpu.memref_slice %arg5[%dma_wait3A_199, %dma_wait3A_200] : memref<163840x128xf32, #tpu.memory_space<hbm>> -> memref<128x128xf32, #tpu.memory_space<hbm>>
        tpu.wait_dma2 semaphore(%arg21 : memref<!tpu.dma_semaphore, #tpu.memory_space<semaphore_mem>>) src(%arg13 : memref<128x128xf32, #tpu.memory_space<vmem>>) dst(%dma_wait3A_201 : memref<128x128xf32, #tpu.memory_space<hbm>>)
      } else {
      }
      %mul3A_118 = arith.constant 4 : i32
      %mul3A_119 = arith.muli %scan3A_69, %mul3A_118 : i32
      %add3A_120 = arith.constant 3 : i32
      %add3A_121 = arith.addi %mul3A_119, %add3A_120 : i32
      %dma_start3A_122 = arith.constant 0 : i32
      %dma_start3A_123 = tpu.memref_slice %arg8[%add3A_121, %dma_start3A_122] : memref<40x128xi32, #tpu.memory_space<vmem>> -> memref<1x128xi32, #tpu.memory_space<vmem>>
      %dma_start3A_124 = tpu.memref_squeeze %dma_start3A_123 : memref<1x128xi32, #tpu.memory_space<vmem>> -> memref<128xi32, #tpu.memory_space<vmem>>
      %dma_start3A_125 = arith.constant 0 : i32
      %dma_start3A_126 = arith.constant 0 : i32
      %dma_start3A_127 = tpu.memref_slice %arg7[%dma_start3A_125, %dma_start3A_126] : memref<2405x128xf32, #tpu.memory_space<vmem_shared>> -> memref<2405x128xf32, #tpu.memory_space<vmem_shared>>
      tpu.enqueue_indirect_dma source(%dma_start3A_127 : memref<2405x128xf32, #tpu.memory_space<vmem_shared>>) target(%arg13 : memref<128x128xf32, #tpu.memory_space<vmem>>) offsets(%dma_start3A_124 : memref<128xi32, #tpu.memory_space<vmem>>) semaphore(%arg17 : memref<!tpu.dma_semaphore, #tpu.memory_space<semaphore_mem>>)
      %dma_wait3A_128 = arith.constant 0 : i32
      %dma_wait3A_129 = tpu.memref_slice %arg8[%add3A_77, %dma_wait3A_128] : memref<40x128xi32, #tpu.memory_space<vmem>> -> memref<1x128xi32, #tpu.memory_space<vmem>>
      %dma_wait3A_130 = tpu.memref_squeeze %dma_wait3A_129 : memref<1x128xi32, #tpu.memory_space<vmem>> -> memref<128xi32, #tpu.memory_space<vmem>>
      %dma_wait3A_131 = arith.constant 0 : i32
      %dma_wait3A_132 = arith.constant 0 : i32
      %dma_wait3A_133 = tpu.memref_slice %arg7[%dma_wait3A_131, %dma_wait3A_132] : memref<2405x128xf32, #tpu.memory_space<vmem_shared>> -> memref<2405x128xf32, #tpu.memory_space<vmem_shared>>
      tpu.wait_indirect_dma semaphore(%arg14 : memref<!tpu.dma_semaphore, #tpu.memory_space<semaphore_mem>>) src(%dma_wait3A_133 : memref<2405x128xf32, #tpu.memory_space<vmem_shared>>) dst(%arg10 : memref<128x128xf32, #tpu.memory_space<vmem>>)
      %mul3A_134 = arith.constant 4 : i32
      %mul3A_135 = arith.muli %scan3A_69, %mul3A_134 : i32
      %add3A_136 = arith.constant 0 : i32
      %add3A_137 = arith.addi %mul3A_135, %add3A_136 : i32
      %mul3A_138 = arith.constant 128 : i32
      %mul3A_139 = arith.muli %add3A_137, %mul3A_138 : i32
      %add3A_140 = arith.addi %mul3A_6, %mul3A_139 : i32
      %dma_start3A_141 = arith.constant 0 : i32
      %dma_start3A_142 = tpu.memref_slice %arg5[%add3A_140, %dma_start3A_141] : memref<163840x128xf32, #tpu.memory_space<hbm>> -> memref<128x128xf32, #tpu.memory_space<hbm>>
      %dma_start3A_143 = arith.constant 0 : i32
      %dma_start3A_144 = tpu.memref_slice %arg5[%add3A_140, %dma_start3A_143] : memref<163840x128xf32, #tpu.memory_space<hbm>> -> memref<128x128xf32, #tpu.memory_space<hbm>>
      tpu.enqueue_dma source(%arg10 : memref<128x128xf32, #tpu.memory_space<vmem>>) target(%dma_start3A_144 : memref<128x128xf32, #tpu.memory_space<hbm>>) target_semaphore(%arg18 : memref<!tpu.dma_semaphore, #tpu.memory_space<semaphore_mem>>)
      %dma_wait3A_145 = arith.constant 0 : i32
      %dma_wait3A_146 = tpu.memref_slice %arg8[%add3A_91, %dma_wait3A_145] : memref<40x128xi32, #tpu.memory_space<vmem>> -> memref<1x128xi32, #tpu.memory_space<vmem>>
      %dma_wait3A_147 = tpu.memref_squeeze %dma_wait3A_146 : memref<1x128xi32, #tpu.memory_space<vmem>> -> memref<128xi32, #tpu.memory_space<vmem>>
      %dma_wait3A_148 = arith.constant 0 : i32
      %dma_wait3A_149 = arith.constant 0 : i32
      %dma_wait3A_150 = tpu.memref_slice %arg7[%dma_wait3A_148, %dma_wait3A_149] : memref<2405x128xf32, #tpu.memory_space<vmem_shared>> -> memref<2405x128xf32, #tpu.memory_space<vmem_shared>>
      tpu.wait_indirect_dma semaphore(%arg15 : memref<!tpu.dma_semaphore, #tpu.memory_space<semaphore_mem>>) src(%dma_wait3A_150 : memref<2405x128xf32, #tpu.memory_space<vmem_shared>>) dst(%arg11 : memref<128x128xf32, #tpu.memory_space<vmem>>)
      %mul3A_151 = arith.constant 4 : i32
      %mul3A_152 = arith.muli %scan3A_69, %mul3A_151 : i32
      %add3A_153 = arith.constant 1 : i32
      %add3A_154 = arith.addi %mul3A_152, %add3A_153 : i32
      %mul3A_155 = arith.constant 128 : i32
      %mul3A_156 = arith.muli %add3A_154, %mul3A_155 : i32
      %add3A_157 = arith.addi %mul3A_6, %mul3A_156 : i32
      %dma_start3A_158 = arith.constant 0 : i32
      %dma_start3A_159 = tpu.memref_slice %arg5[%add3A_157, %dma_start3A_158] : memref<163840x128xf32, #tpu.memory_space<hbm>> -> memref<128x128xf32, #tpu.memory_space<hbm>>
      %dma_start3A_160 = arith.constant 0 : i32
      %dma_start3A_161 = tpu.memref_slice %arg5[%add3A_157, %dma_start3A_160] : memref<163840x128xf32, #tpu.memory_space<hbm>> -> memref<128x128xf32, #tpu.memory_space<hbm>>
      tpu.enqueue_dma source(%arg11 : memref<128x128xf32, #tpu.memory_space<vmem>>) target(%dma_start3A_161 : memref<128x128xf32, #tpu.memory_space<hbm>>) target_semaphore(%arg19 : memref<!tpu.dma_semaphore, #tpu.memory_space<semaphore_mem>>)
      %dma_wait3A_162 = arith.constant 0 : i32
      %dma_wait3A_163 = tpu.memref_slice %arg8[%add3A_106, %dma_wait3A_162] : memref<40x128xi32, #tpu.memory_space<vmem>> -> memref<1x128xi32, #tpu.memory_space<vmem>>
      %dma_wait3A_164 = tpu.memref_squeeze %dma_wait3A_163 : memref<1x128xi32, #tpu.memory_space<vmem>> -> memref<128xi32, #tpu.memory_space<vmem>>
      %dma_wait3A_165 = arith.constant 0 : i32
      %dma_wait3A_166 = arith.constant 0 : i32
      %dma_wait3A_167 = tpu.memref_slice %arg7[%dma_wait3A_165, %dma_wait3A_166] : memref<2405x128xf32, #tpu.memory_space<vmem_shared>> -> memref<2405x128xf32, #tpu.memory_space<vmem_shared>>
      tpu.wait_indirect_dma semaphore(%arg16 : memref<!tpu.dma_semaphore, #tpu.memory_space<semaphore_mem>>) src(%dma_wait3A_167 : memref<2405x128xf32, #tpu.memory_space<vmem_shared>>) dst(%arg12 : memref<128x128xf32, #tpu.memory_space<vmem>>)
      %mul3A_168 = arith.constant 4 : i32
      %mul3A_169 = arith.muli %scan3A_69, %mul3A_168 : i32
      %add3A_170 = arith.constant 2 : i32
      %add3A_171 = arith.addi %mul3A_169, %add3A_170 : i32
      %mul3A_172 = arith.constant 128 : i32
      %mul3A_173 = arith.muli %add3A_171, %mul3A_172 : i32
      %add3A_174 = arith.addi %mul3A_6, %mul3A_173 : i32
      %dma_start3A_175 = arith.constant 0 : i32
      %dma_start3A_176 = tpu.memref_slice %arg5[%add3A_174, %dma_start3A_175] : memref<163840x128xf32, #tpu.memory_space<hbm>> -> memref<128x128xf32, #tpu.memory_space<hbm>>
      %dma_start3A_177 = arith.constant 0 : i32
      %dma_start3A_178 = tpu.memref_slice %arg5[%add3A_174, %dma_start3A_177] : memref<163840x128xf32, #tpu.memory_space<hbm>> -> memref<128x128xf32, #tpu.memory_space<hbm>>
      tpu.enqueue_dma source(%arg12 : memref<128x128xf32, #tpu.memory_space<vmem>>) target(%dma_start3A_178 : memref<128x128xf32, #tpu.memory_space<hbm>>) target_semaphore(%arg20 : memref<!tpu.dma_semaphore, #tpu.memory_space<semaphore_mem>>)
      %dma_wait3A_179 = arith.constant 0 : i32
      %dma_wait3A_180 = tpu.memref_slice %arg8[%add3A_121, %dma_wait3A_179] : memref<40x128xi32, #tpu.memory_space<vmem>> -> memref<1x128xi32, #tpu.memory_space<vmem>>
      %dma_wait3A_181 = tpu.memref_squeeze %dma_wait3A_180 : memref<1x128xi32, #tpu.memory_space<vmem>> -> memref<128xi32, #tpu.memory_space<vmem>>
      %dma_wait3A_182 = arith.constant 0 : i32
      %dma_wait3A_183 = arith.constant 0 : i32
      %dma_wait3A_184 = tpu.memref_slice %arg7[%dma_wait3A_182, %dma_wait3A_183] : memref<2405x128xf32, #tpu.memory_space<vmem_shared>> -> memref<2405x128xf32, #tpu.memory_space<vmem_shared>>
      tpu.wait_indirect_dma semaphore(%arg17 : memref<!tpu.dma_semaphore, #tpu.memory_space<semaphore_mem>>) src(%dma_wait3A_184 : memref<2405x128xf32, #tpu.memory_space<vmem_shared>>) dst(%arg13 : memref<128x128xf32, #tpu.memory_space<vmem>>)
      %mul3A_185 = arith.constant 4 : i32
      %mul3A_186 = arith.muli %scan3A_69, %mul3A_185 : i32
      %add3A_187 = arith.constant 3 : i32
      %add3A_188 = arith.addi %mul3A_186, %add3A_187 : i32
      %mul3A_189 = arith.constant 128 : i32
      %mul3A_190 = arith.muli %add3A_188, %mul3A_189 : i32
      %add3A_191 = arith.addi %mul3A_6, %mul3A_190 : i32
      %dma_start3A_192 = arith.constant 0 : i32
      %dma_start3A_193 = tpu.memref_slice %arg5[%add3A_191, %dma_start3A_192] : memref<163840x128xf32, #tpu.memory_space<hbm>> -> memref<128x128xf32, #tpu.memory_space<hbm>>
      %dma_start3A_194 = arith.constant 0 : i32
      %dma_start3A_195 = tpu.memref_slice %arg5[%add3A_191, %dma_start3A_194] : memref<163840x128xf32, #tpu.memory_space<hbm>> -> memref<128x128xf32, #tpu.memory_space<hbm>>
      tpu.enqueue_dma source(%arg13 : memref<128x128xf32, #tpu.memory_space<vmem>>) target(%dma_start3A_195 : memref<128x128xf32, #tpu.memory_space<hbm>>) target_semaphore(%arg21 : memref<!tpu.dma_semaphore, #tpu.memory_space<semaphore_mem>>)
    }
    %scan3A_11 = arith.constant 10 : i32
    %dma_wait3A = arith.constant 0 : i32
    %dma_wait3A_12 = arith.constant 0 : i32
    %dma_wait3A_13 = tpu.memref_slice %arg5[%dma_wait3A, %dma_wait3A_12] : memref<163840x128xf32, #tpu.memory_space<hbm>> -> memref<128x128xf32, #tpu.memory_space<hbm>>
    %dma_wait3A_14 = arith.constant 0 : i32
    %dma_wait3A_15 = arith.constant 0 : i32
    %dma_wait3A_16 = tpu.memref_slice %arg5[%dma_wait3A_14, %dma_wait3A_15] : memref<163840x128xf32, #tpu.memory_space<hbm>> -> memref<128x128xf32, #tpu.memory_space<hbm>>
    tpu.wait_dma2 semaphore(%arg18 : memref<!tpu.dma_semaphore, #tpu.memory_space<semaphore_mem>>) src(%arg10 : memref<128x128xf32, #tpu.memory_space<vmem>>) dst(%dma_wait3A_16 : memref<128x128xf32, #tpu.memory_space<hbm>>)
    %dma_wait3A_17 = arith.constant 0 : i32
    %dma_wait3A_18 = arith.constant 0 : i32
    %dma_wait3A_19 = tpu.memref_slice %arg5[%dma_wait3A_17, %dma_wait3A_18] : memref<163840x128xf32, #tpu.memory_space<hbm>> -> memref<128x128xf32, #tpu.memory_space<hbm>>
    %dma_wait3A_20 = arith.constant 0 : i32
    %dma_wait3A_21 = arith.constant 0 : i32
    %dma_wait3A_22 = tpu.memref_slice %arg5[%dma_wait3A_20, %dma_wait3A_21] : memref<163840x128xf32, #tpu.memory_space<hbm>> -> memref<128x128xf32, #tpu.memory_space<hbm>>
    tpu.wait_dma2 semaphore(%arg19 : memref<!tpu.dma_semaphore, #tpu.memory_space<semaphore_mem>>) src(%arg11 : memref<128x128xf32, #tpu.memory_space<vmem>>) dst(%dma_wait3A_22 : memref<128x128xf32, #tpu.memory_space<hbm>>)
    %dma_wait3A_23 = arith.constant 0 : i32
    %dma_wait3A_24 = arith.constant 0 : i32
    %dma_wait3A_25 = tpu.memref_slice %arg5[%dma_wait3A_23, %dma_wait3A_24] : memref<163840x128xf32, #tpu.memory_space<hbm>> -> memref<128x128xf32, #tpu.memory_space<hbm>>
    %dma_wait3A_26 = arith.constant 0 : i32
    %dma_wait3A_27 = arith.constant 0 : i32
    %dma_wait3A_28 = tpu.memref_slice %arg5[%dma_wait3A_26, %dma_wait3A_27] : memref<163840x128xf32, #tpu.memory_space<hbm>> -> memref<128x128xf32, #tpu.memory_space<hbm>>
    tpu.wait_dma2 semaphore(%arg20 : memref<!tpu.dma_semaphore, #tpu.memory_space<semaphore_mem>>) src(%arg12 : memref<128x128xf32, #tpu.memory_space<vmem>>) dst(%dma_wait3A_28 : memref<128x128xf32, #tpu.memory_space<hbm>>)
    %dma_wait3A_29 = arith.constant 0 : i32
    %dma_wait3A_30 = arith.constant 0 : i32
    %dma_wait3A_31 = tpu.memref_slice %arg5[%dma_wait3A_29, %dma_wait3A_30] : memref<163840x128xf32, #tpu.memory_space<hbm>> -> memref<128x128xf32, #tpu.memory_space<hbm>>
    %dma_wait3A_32 = arith.constant 0 : i32
    %dma_wait3A_33 = arith.constant 0 : i32
    %dma_wait3A_34 = tpu.memref_slice %arg5[%dma_wait3A_32, %dma_wait3A_33] : memref<163840x128xf32, #tpu.memory_space<hbm>> -> memref<128x128xf32, #tpu.memory_space<hbm>>
    tpu.wait_dma2 semaphore(%arg21 : memref<!tpu.dma_semaphore, #tpu.memory_space<semaphore_mem>>) src(%arg13 : memref<128x128xf32, #tpu.memory_space<vmem>>) dst(%dma_wait3A_34 : memref<128x128xf32, #tpu.memory_space<hbm>>)
    %mul3A_35 = arith.constant 200 : i32
    %mul3A_36 = arith.muli %add3A, %mul3A_35 : i32
    %mul3A_37 = arith.constant 128 : i32
    %mul3A_38 = arith.muli %mul3A_36, %mul3A_37 : i32
    %scan3A_39 = arith.constant 0 : i32
    %scan3A_40 = arith.constant 0 : i32
    %scan3A_41 = arith.constant 50 : i32
    %scan3A_42 = arith.addi %scan3A_40, %scan3A_41 : i32
    %scan3A_43 = arith.constant 1 : i32
    scf.for %scan3A_69 = %scan3A_40 to %scan3A_42 step %scan3A_43  : i32 {
      %ne3A = arith.constant 0 : i32
      %ne3A_70 = arith.cmpi ne, %scan3A_69, %ne3A : i32
      %convert_element_type3A_71 = arith.extui %ne3A_70 : i1 to i32
      %cond3A_72 = arith.constant 0 : i32
      %cond3A_73 = arith.cmpi ne, %convert_element_type3A_71, %cond3A_72 : i32
      scf.if %cond3A_73 {
        %dma_wait3A_196 = arith.constant 0 : i32
        %dma_wait3A_197 = arith.constant 0 : i32
        %dma_wait3A_198 = tpu.memref_slice %arg6[%dma_wait3A_196, %dma_wait3A_197] : memref<819200x128xf32, #tpu.memory_space<hbm>> -> memref<128x128xf32, #tpu.memory_space<hbm>>
        %dma_wait3A_199 = arith.constant 0 : i32
        %dma_wait3A_200 = arith.constant 0 : i32
        %dma_wait3A_201 = tpu.memref_slice %arg6[%dma_wait3A_199, %dma_wait3A_200] : memref<819200x128xf32, #tpu.memory_space<hbm>> -> memref<128x128xf32, #tpu.memory_space<hbm>>
        tpu.wait_dma2 semaphore(%arg18 : memref<!tpu.dma_semaphore, #tpu.memory_space<semaphore_mem>>) src(%arg10 : memref<128x128xf32, #tpu.memory_space<vmem>>) dst(%dma_wait3A_201 : memref<128x128xf32, #tpu.memory_space<hbm>>)
      } else {
      }
      %mul3A_74 = arith.constant 4 : i32
      %mul3A_75 = arith.muli %scan3A_69, %mul3A_74 : i32
      %add3A_76 = arith.constant 0 : i32
      %add3A_77 = arith.addi %mul3A_75, %add3A_76 : i32
      %dma_start3A = arith.constant 0 : i32
      %dma_start3A_78 = tpu.memref_slice %arg9[%add3A_77, %dma_start3A] : memref<200x128xi32, #tpu.memory_space<vmem>> -> memref<1x128xi32, #tpu.memory_space<vmem>>
      %dma_start3A_79 = tpu.memref_squeeze %dma_start3A_78 : memref<1x128xi32, #tpu.memory_space<vmem>> -> memref<128xi32, #tpu.memory_space<vmem>>
      %dma_start3A_80 = arith.constant 0 : i32
      %dma_start3A_81 = arith.constant 0 : i32
      %dma_start3A_82 = tpu.memref_slice %arg7[%dma_start3A_80, %dma_start3A_81] : memref<2405x128xf32, #tpu.memory_space<vmem_shared>> -> memref<2405x128xf32, #tpu.memory_space<vmem_shared>>
      tpu.enqueue_indirect_dma source(%dma_start3A_82 : memref<2405x128xf32, #tpu.memory_space<vmem_shared>>) target(%arg10 : memref<128x128xf32, #tpu.memory_space<vmem>>) offsets(%dma_start3A_79 : memref<128xi32, #tpu.memory_space<vmem>>) semaphore(%arg14 : memref<!tpu.dma_semaphore, #tpu.memory_space<semaphore_mem>>)
      %ne3A_83 = arith.constant 0 : i32
      %ne3A_84 = arith.cmpi ne, %scan3A_69, %ne3A_83 : i32
      %convert_element_type3A_85 = arith.extui %ne3A_84 : i1 to i32
      %cond3A_86 = arith.constant 0 : i32
      %cond3A_87 = arith.cmpi ne, %convert_element_type3A_85, %cond3A_86 : i32
      scf.if %cond3A_87 {
        %dma_wait3A_196 = arith.constant 0 : i32
        %dma_wait3A_197 = arith.constant 0 : i32
        %dma_wait3A_198 = tpu.memref_slice %arg6[%dma_wait3A_196, %dma_wait3A_197] : memref<819200x128xf32, #tpu.memory_space<hbm>> -> memref<128x128xf32, #tpu.memory_space<hbm>>
        %dma_wait3A_199 = arith.constant 0 : i32
        %dma_wait3A_200 = arith.constant 0 : i32
        %dma_wait3A_201 = tpu.memref_slice %arg6[%dma_wait3A_199, %dma_wait3A_200] : memref<819200x128xf32, #tpu.memory_space<hbm>> -> memref<128x128xf32, #tpu.memory_space<hbm>>
        tpu.wait_dma2 semaphore(%arg19 : memref<!tpu.dma_semaphore, #tpu.memory_space<semaphore_mem>>) src(%arg11 : memref<128x128xf32, #tpu.memory_space<vmem>>) dst(%dma_wait3A_201 : memref<128x128xf32, #tpu.memory_space<hbm>>)
      } else {
      }
      %mul3A_88 = arith.constant 4 : i32
      %mul3A_89 = arith.muli %scan3A_69, %mul3A_88 : i32
      %add3A_90 = arith.constant 1 : i32
      %add3A_91 = arith.addi %mul3A_89, %add3A_90 : i32
      %dma_start3A_92 = arith.constant 0 : i32
      %dma_start3A_93 = tpu.memref_slice %arg9[%add3A_91, %dma_start3A_92] : memref<200x128xi32, #tpu.memory_space<vmem>> -> memref<1x128xi32, #tpu.memory_space<vmem>>
      %dma_start3A_94 = tpu.memref_squeeze %dma_start3A_93 : memref<1x128xi32, #tpu.memory_space<vmem>> -> memref<128xi32, #tpu.memory_space<vmem>>
      %dma_start3A_95 = arith.constant 0 : i32
      %dma_start3A_96 = arith.constant 0 : i32
      %dma_start3A_97 = tpu.memref_slice %arg7[%dma_start3A_95, %dma_start3A_96] : memref<2405x128xf32, #tpu.memory_space<vmem_shared>> -> memref<2405x128xf32, #tpu.memory_space<vmem_shared>>
      tpu.enqueue_indirect_dma source(%dma_start3A_97 : memref<2405x128xf32, #tpu.memory_space<vmem_shared>>) target(%arg11 : memref<128x128xf32, #tpu.memory_space<vmem>>) offsets(%dma_start3A_94 : memref<128xi32, #tpu.memory_space<vmem>>) semaphore(%arg15 : memref<!tpu.dma_semaphore, #tpu.memory_space<semaphore_mem>>)
      %ne3A_98 = arith.constant 0 : i32
      %ne3A_99 = arith.cmpi ne, %scan3A_69, %ne3A_98 : i32
      %convert_element_type3A_100 = arith.extui %ne3A_99 : i1 to i32
      %cond3A_101 = arith.constant 0 : i32
      %cond3A_102 = arith.cmpi ne, %convert_element_type3A_100, %cond3A_101 : i32
      scf.if %cond3A_102 {
        %dma_wait3A_196 = arith.constant 0 : i32
        %dma_wait3A_197 = arith.constant 0 : i32
        %dma_wait3A_198 = tpu.memref_slice %arg6[%dma_wait3A_196, %dma_wait3A_197] : memref<819200x128xf32, #tpu.memory_space<hbm>> -> memref<128x128xf32, #tpu.memory_space<hbm>>
        %dma_wait3A_199 = arith.constant 0 : i32
        %dma_wait3A_200 = arith.constant 0 : i32
        %dma_wait3A_201 = tpu.memref_slice %arg6[%dma_wait3A_199, %dma_wait3A_200] : memref<819200x128xf32, #tpu.memory_space<hbm>> -> memref<128x128xf32, #tpu.memory_space<hbm>>
        tpu.wait_dma2 semaphore(%arg20 : memref<!tpu.dma_semaphore, #tpu.memory_space<semaphore_mem>>) src(%arg12 : memref<128x128xf32, #tpu.memory_space<vmem>>) dst(%dma_wait3A_201 : memref<128x128xf32, #tpu.memory_space<hbm>>)
      } else {
      }
      %mul3A_103 = arith.constant 4 : i32
      %mul3A_104 = arith.muli %scan3A_69, %mul3A_103 : i32
      %add3A_105 = arith.constant 2 : i32
      %add3A_106 = arith.addi %mul3A_104, %add3A_105 : i32
      %dma_start3A_107 = arith.constant 0 : i32
      %dma_start3A_108 = tpu.memref_slice %arg9[%add3A_106, %dma_start3A_107] : memref<200x128xi32, #tpu.memory_space<vmem>> -> memref<1x128xi32, #tpu.memory_space<vmem>>
      %dma_start3A_109 = tpu.memref_squeeze %dma_start3A_108 : memref<1x128xi32, #tpu.memory_space<vmem>> -> memref<128xi32, #tpu.memory_space<vmem>>
      %dma_start3A_110 = arith.constant 0 : i32
      %dma_start3A_111 = arith.constant 0 : i32
      %dma_start3A_112 = tpu.memref_slice %arg7[%dma_start3A_110, %dma_start3A_111] : memref<2405x128xf32, #tpu.memory_space<vmem_shared>> -> memref<2405x128xf32, #tpu.memory_space<vmem_shared>>
      tpu.enqueue_indirect_dma source(%dma_start3A_112 : memref<2405x128xf32, #tpu.memory_space<vmem_shared>>) target(%arg12 : memref<128x128xf32, #tpu.memory_space<vmem>>) offsets(%dma_start3A_109 : memref<128xi32, #tpu.memory_space<vmem>>) semaphore(%arg16 : memref<!tpu.dma_semaphore, #tpu.memory_space<semaphore_mem>>)
      %ne3A_113 = arith.constant 0 : i32
      %ne3A_114 = arith.cmpi ne, %scan3A_69, %ne3A_113 : i32
      %convert_element_type3A_115 = arith.extui %ne3A_114 : i1 to i32
      %cond3A_116 = arith.constant 0 : i32
      %cond3A_117 = arith.cmpi ne, %convert_element_type3A_115, %cond3A_116 : i32
      scf.if %cond3A_117 {
        %dma_wait3A_196 = arith.constant 0 : i32
        %dma_wait3A_197 = arith.constant 0 : i32
        %dma_wait3A_198 = tpu.memref_slice %arg6[%dma_wait3A_196, %dma_wait3A_197] : memref<819200x128xf32, #tpu.memory_space<hbm>> -> memref<128x128xf32, #tpu.memory_space<hbm>>
        %dma_wait3A_199 = arith.constant 0 : i32
        %dma_wait3A_200 = arith.constant 0 : i32
        %dma_wait3A_201 = tpu.memref_slice %arg6[%dma_wait3A_199, %dma_wait3A_200] : memref<819200x128xf32, #tpu.memory_space<hbm>> -> memref<128x128xf32, #tpu.memory_space<hbm>>
        tpu.wait_dma2 semaphore(%arg21 : memref<!tpu.dma_semaphore, #tpu.memory_space<semaphore_mem>>) src(%arg13 : memref<128x128xf32, #tpu.memory_space<vmem>>) dst(%dma_wait3A_201 : memref<128x128xf32, #tpu.memory_space<hbm>>)
      } else {
      }
      %mul3A_118 = arith.constant 4 : i32
      %mul3A_119 = arith.muli %scan3A_69, %mul3A_118 : i32
      %add3A_120 = arith.constant 3 : i32
      %add3A_121 = arith.addi %mul3A_119, %add3A_120 : i32
      %dma_start3A_122 = arith.constant 0 : i32
      %dma_start3A_123 = tpu.memref_slice %arg9[%add3A_121, %dma_start3A_122] : memref<200x128xi32, #tpu.memory_space<vmem>> -> memref<1x128xi32, #tpu.memory_space<vmem>>
      %dma_start3A_124 = tpu.memref_squeeze %dma_start3A_123 : memref<1x128xi32, #tpu.memory_space<vmem>> -> memref<128xi32, #tpu.memory_space<vmem>>
      %dma_start3A_125 = arith.constant 0 : i32
      %dma_start3A_126 = arith.constant 0 : i32
      %dma_start3A_127 = tpu.memref_slice %arg7[%dma_start3A_125, %dma_start3A_126] : memref<2405x128xf32, #tpu.memory_space<vmem_shared>> -> memref<2405x128xf32, #tpu.memory_space<vmem_shared>>
      tpu.enqueue_indirect_dma source(%dma_start3A_127 : memref<2405x128xf32, #tpu.memory_space<vmem_shared>>) target(%arg13 : memref<128x128xf32, #tpu.memory_space<vmem>>) offsets(%dma_start3A_124 : memref<128xi32, #tpu.memory_space<vmem>>) semaphore(%arg17 : memref<!tpu.dma_semaphore, #tpu.memory_space<semaphore_mem>>)
      %dma_wait3A_128 = arith.constant 0 : i32
      %dma_wait3A_129 = tpu.memref_slice %arg9[%add3A_77, %dma_wait3A_128] : memref<200x128xi32, #tpu.memory_space<vmem>> -> memref<1x128xi32, #tpu.memory_space<vmem>>
      %dma_wait3A_130 = tpu.memref_squeeze %dma_wait3A_129 : memref<1x128xi32, #tpu.memory_space<vmem>> -> memref<128xi32, #tpu.memory_space<vmem>>
      %dma_wait3A_131 = arith.constant 0 : i32
      %dma_wait3A_132 = arith.constant 0 : i32
      %dma_wait3A_133 = tpu.memref_slice %arg7[%dma_wait3A_131, %dma_wait3A_132] : memref<2405x128xf32, #tpu.memory_space<vmem_shared>> -> memref<2405x128xf32, #tpu.memory_space<vmem_shared>>
      tpu.wait_indirect_dma semaphore(%arg14 : memref<!tpu.dma_semaphore, #tpu.memory_space<semaphore_mem>>) src(%dma_wait3A_133 : memref<2405x128xf32, #tpu.memory_space<vmem_shared>>) dst(%arg10 : memref<128x128xf32, #tpu.memory_space<vmem>>)
      %mul3A_134 = arith.constant 4 : i32
      %mul3A_135 = arith.muli %scan3A_69, %mul3A_134 : i32
      %add3A_136 = arith.constant 0 : i32
      %add3A_137 = arith.addi %mul3A_135, %add3A_136 : i32
      %mul3A_138 = arith.constant 128 : i32
      %mul3A_139 = arith.muli %add3A_137, %mul3A_138 : i32
      %add3A_140 = arith.addi %mul3A_38, %mul3A_139 : i32
      %dma_start3A_141 = arith.constant 0 : i32
      %dma_start3A_142 = tpu.memref_slice %arg6[%add3A_140, %dma_start3A_141] : memref<819200x128xf32, #tpu.memory_space<hbm>> -> memref<128x128xf32, #tpu.memory_space<hbm>>
      %dma_start3A_143 = arith.constant 0 : i32
      %dma_start3A_144 = tpu.memref_slice %arg6[%add3A_140, %dma_start3A_143] : memref<819200x128xf32, #tpu.memory_space<hbm>> -> memref<128x128xf32, #tpu.memory_space<hbm>>
      tpu.enqueue_dma source(%arg10 : memref<128x128xf32, #tpu.memory_space<vmem>>) target(%dma_start3A_144 : memref<128x128xf32, #tpu.memory_space<hbm>>) target_semaphore(%arg18 : memref<!tpu.dma_semaphore, #tpu.memory_space<semaphore_mem>>)
      %dma_wait3A_145 = arith.constant 0 : i32
      %dma_wait3A_146 = tpu.memref_slice %arg9[%add3A_91, %dma_wait3A_145] : memref<200x128xi32, #tpu.memory_space<vmem>> -> memref<1x128xi32, #tpu.memory_space<vmem>>
      %dma_wait3A_147 = tpu.memref_squeeze %dma_wait3A_146 : memref<1x128xi32, #tpu.memory_space<vmem>> -> memref<128xi32, #tpu.memory_space<vmem>>
      %dma_wait3A_148 = arith.constant 0 : i32
      %dma_wait3A_149 = arith.constant 0 : i32
      %dma_wait3A_150 = tpu.memref_slice %arg7[%dma_wait3A_148, %dma_wait3A_149] : memref<2405x128xf32, #tpu.memory_space<vmem_shared>> -> memref<2405x128xf32, #tpu.memory_space<vmem_shared>>
      tpu.wait_indirect_dma semaphore(%arg15 : memref<!tpu.dma_semaphore, #tpu.memory_space<semaphore_mem>>) src(%dma_wait3A_150 : memref<2405x128xf32, #tpu.memory_space<vmem_shared>>) dst(%arg11 : memref<128x128xf32, #tpu.memory_space<vmem>>)
      %mul3A_151 = arith.constant 4 : i32
      %mul3A_152 = arith.muli %scan3A_69, %mul3A_151 : i32
      %add3A_153 = arith.constant 1 : i32
      %add3A_154 = arith.addi %mul3A_152, %add3A_153 : i32
      %mul3A_155 = arith.constant 128 : i32
      %mul3A_156 = arith.muli %add3A_154, %mul3A_155 : i32
      %add3A_157 = arith.addi %mul3A_38, %mul3A_156 : i32
      %dma_start3A_158 = arith.constant 0 : i32
      %dma_start3A_159 = tpu.memref_slice %arg6[%add3A_157, %dma_start3A_158] : memref<819200x128xf32, #tpu.memory_space<hbm>> -> memref<128x128xf32, #tpu.memory_space<hbm>>
      %dma_start3A_160 = arith.constant 0 : i32
      %dma_start3A_161 = tpu.memref_slice %arg6[%add3A_157, %dma_start3A_160] : memref<819200x128xf32, #tpu.memory_space<hbm>> -> memref<128x128xf32, #tpu.memory_space<hbm>>
      tpu.enqueue_dma source(%arg11 : memref<128x128xf32, #tpu.memory_space<vmem>>) target(%dma_start3A_161 : memref<128x128xf32, #tpu.memory_space<hbm>>) target_semaphore(%arg19 : memref<!tpu.dma_semaphore, #tpu.memory_space<semaphore_mem>>)
      %dma_wait3A_162 = arith.constant 0 : i32
      %dma_wait3A_163 = tpu.memref_slice %arg9[%add3A_106, %dma_wait3A_162] : memref<200x128xi32, #tpu.memory_space<vmem>> -> memref<1x128xi32, #tpu.memory_space<vmem>>
      %dma_wait3A_164 = tpu.memref_squeeze %dma_wait3A_163 : memref<1x128xi32, #tpu.memory_space<vmem>> -> memref<128xi32, #tpu.memory_space<vmem>>
      %dma_wait3A_165 = arith.constant 0 : i32
      %dma_wait3A_166 = arith.constant 0 : i32
      %dma_wait3A_167 = tpu.memref_slice %arg7[%dma_wait3A_165, %dma_wait3A_166] : memref<2405x128xf32, #tpu.memory_space<vmem_shared>> -> memref<2405x128xf32, #tpu.memory_space<vmem_shared>>
      tpu.wait_indirect_dma semaphore(%arg16 : memref<!tpu.dma_semaphore, #tpu.memory_space<semaphore_mem>>) src(%dma_wait3A_167 : memref<2405x128xf32, #tpu.memory_space<vmem_shared>>) dst(%arg12 : memref<128x128xf32, #tpu.memory_space<vmem>>)
      %mul3A_168 = arith.constant 4 : i32
      %mul3A_169 = arith.muli %scan3A_69, %mul3A_168 : i32
      %add3A_170 = arith.constant 2 : i32
      %add3A_171 = arith.addi %mul3A_169, %add3A_170 : i32
      %mul3A_172 = arith.constant 128 : i32
      %mul3A_173 = arith.muli %add3A_171, %mul3A_172 : i32
      %add3A_174 = arith.addi %mul3A_38, %mul3A_173 : i32
      %dma_start3A_175 = arith.constant 0 : i32
      %dma_start3A_176 = tpu.memref_slice %arg6[%add3A_174, %dma_start3A_175] : memref<819200x128xf32, #tpu.memory_space<hbm>> -> memref<128x128xf32, #tpu.memory_space<hbm>>
      %dma_start3A_177 = arith.constant 0 : i32
      %dma_start3A_178 = tpu.memref_slice %arg6[%add3A_174, %dma_start3A_177] : memref<819200x128xf32, #tpu.memory_space<hbm>> -> memref<128x128xf32, #tpu.memory_space<hbm>>
      tpu.enqueue_dma source(%arg12 : memref<128x128xf32, #tpu.memory_space<vmem>>) target(%dma_start3A_178 : memref<128x128xf32, #tpu.memory_space<hbm>>) target_semaphore(%arg20 : memref<!tpu.dma_semaphore, #tpu.memory_space<semaphore_mem>>)
      %dma_wait3A_179 = arith.constant 0 : i32
      %dma_wait3A_180 = tpu.memref_slice %arg9[%add3A_121, %dma_wait3A_179] : memref<200x128xi32, #tpu.memory_space<vmem>> -> memref<1x128xi32, #tpu.memory_space<vmem>>
      %dma_wait3A_181 = tpu.memref_squeeze %dma_wait3A_180 : memref<1x128xi32, #tpu.memory_space<vmem>> -> memref<128xi32, #tpu.memory_space<vmem>>
      %dma_wait3A_182 = arith.constant 0 : i32
      %dma_wait3A_183 = arith.constant 0 : i32
      %dma_wait3A_184 = tpu.memref_slice %arg7[%dma_wait3A_182, %dma_wait3A_183] : memref<2405x128xf32, #tpu.memory_space<vmem_shared>> -> memref<2405x128xf32, #tpu.memory_space<vmem_shared>>
      tpu.wait_indirect_dma semaphore(%arg17 : memref<!tpu.dma_semaphore, #tpu.memory_space<semaphore_mem>>) src(%dma_wait3A_184 : memref<2405x128xf32, #tpu.memory_space<vmem_shared>>) dst(%arg13 : memref<128x128xf32, #tpu.memory_space<vmem>>)
      %mul3A_185 = arith.constant 4 : i32
      %mul3A_186 = arith.muli %scan3A_69, %mul3A_185 : i32
      %add3A_187 = arith.constant 3 : i32
      %add3A_188 = arith.addi %mul3A_186, %add3A_187 : i32
      %mul3A_189 = arith.constant 128 : i32
      %mul3A_190 = arith.muli %add3A_188, %mul3A_189 : i32
      %add3A_191 = arith.addi %mul3A_38, %mul3A_190 : i32
      %dma_start3A_192 = arith.constant 0 : i32
      %dma_start3A_193 = tpu.memref_slice %arg6[%add3A_191, %dma_start3A_192] : memref<819200x128xf32, #tpu.memory_space<hbm>> -> memref<128x128xf32, #tpu.memory_space<hbm>>
      %dma_start3A_194 = arith.constant 0 : i32
      %dma_start3A_195 = tpu.memref_slice %arg6[%add3A_191, %dma_start3A_194] : memref<819200x128xf32, #tpu.memory_space<hbm>> -> memref<128x128xf32, #tpu.memory_space<hbm>>
      tpu.enqueue_dma source(%arg13 : memref<128x128xf32, #tpu.memory_space<vmem>>) target(%dma_start3A_195 : memref<128x128xf32, #tpu.memory_space<hbm>>) target_semaphore(%arg21 : memref<!tpu.dma_semaphore, #tpu.memory_space<semaphore_mem>>)
    }
    %scan3A_44 = arith.constant 50 : i32
    %dma_wait3A_45 = arith.constant 0 : i32
    %dma_wait3A_46 = arith.constant 0 : i32
    %dma_wait3A_47 = tpu.memref_slice %arg6[%dma_wait3A_45, %dma_wait3A_46] : memref<819200x128xf32, #tpu.memory_space<hbm>> -> memref<128x128xf32, #tpu.memory_space<hbm>>
    %dma_wait3A_48 = arith.constant 0 : i32
    %dma_wait3A_49 = arith.constant 0 : i32
    %dma_wait3A_50 = tpu.memref_slice %arg6[%dma_wait3A_48, %dma_wait3A_49] : memref<819200x128xf32, #tpu.memory_space<hbm>> -> memref<128x128xf32, #tpu.memory_space<hbm>>
    tpu.wait_dma2 semaphore(%arg18 : memref<!tpu.dma_semaphore, #tpu.memory_space<semaphore_mem>>) src(%arg10 : memref<128x128xf32, #tpu.memory_space<vmem>>) dst(%dma_wait3A_50 : memref<128x128xf32, #tpu.memory_space<hbm>>)
    %dma_wait3A_51 = arith.constant 0 : i32
    %dma_wait3A_52 = arith.constant 0 : i32
    %dma_wait3A_53 = tpu.memref_slice %arg6[%dma_wait3A_51, %dma_wait3A_52] : memref<819200x128xf32, #tpu.memory_space<hbm>> -> memref<128x128xf32, #tpu.memory_space<hbm>>
    %dma_wait3A_54 = arith.constant 0 : i32
    %dma_wait3A_55 = arith.constant 0 : i32
    %dma_wait3A_56 = tpu.memref_slice %arg6[%dma_wait3A_54, %dma_wait3A_55] : memref<819200x128xf32, #tpu.memory_space<hbm>> -> memref<128x128xf32, #tpu.memory_space<hbm>>
    tpu.wait_dma2 semaphore(%arg19 : memref<!tpu.dma_semaphore, #tpu.memory_space<semaphore_mem>>) src(%arg11 : memref<128x128xf32, #tpu.memory_space<vmem>>) dst(%dma_wait3A_56 : memref<128x128xf32, #tpu.memory_space<hbm>>)
    %dma_wait3A_57 = arith.constant 0 : i32
    %dma_wait3A_58 = arith.constant 0 : i32
    %dma_wait3A_59 = tpu.memref_slice %arg6[%dma_wait3A_57, %dma_wait3A_58] : memref<819200x128xf32, #tpu.memory_space<hbm>> -> memref<128x128xf32, #tpu.memory_space<hbm>>
    %dma_wait3A_60 = arith.constant 0 : i32
    %dma_wait3A_61 = arith.constant 0 : i32
    %dma_wait3A_62 = tpu.memref_slice %arg6[%dma_wait3A_60, %dma_wait3A_61] : memref<819200x128xf32, #tpu.memory_space<hbm>> -> memref<128x128xf32, #tpu.memory_space<hbm>>
    tpu.wait_dma2 semaphore(%arg20 : memref<!tpu.dma_semaphore, #tpu.memory_space<semaphore_mem>>) src(%arg12 : memref<128x128xf32, #tpu.memory_space<vmem>>) dst(%dma_wait3A_62 : memref<128x128xf32, #tpu.memory_space<hbm>>)
    %dma_wait3A_63 = arith.constant 0 : i32
    %dma_wait3A_64 = arith.constant 0 : i32
    %dma_wait3A_65 = tpu.memref_slice %arg6[%dma_wait3A_63, %dma_wait3A_64] : memref<819200x128xf32, #tpu.memory_space<hbm>> -> memref<128x128xf32, #tpu.memory_space<hbm>>
    %dma_wait3A_66 = arith.constant 0 : i32
    %dma_wait3A_67 = arith.constant 0 : i32
    %dma_wait3A_68 = tpu.memref_slice %arg6[%dma_wait3A_66, %dma_wait3A_67] : memref<819200x128xf32, #tpu.memory_space<hbm>> -> memref<128x128xf32, #tpu.memory_space<hbm>>
    tpu.wait_dma2 semaphore(%arg21 : memref<!tpu.dma_semaphore, #tpu.memory_space<semaphore_mem>>) src(%arg13 : memref<128x128xf32, #tpu.memory_space<vmem>>) dst(%dma_wait3A_68 : memref<128x128xf32, #tpu.memory_space<hbm>>)
    return
  }
}

module attributes {stable_mosaic.version = 14 : i64} {
  func.func @_tile_body(%arg0: i32, %arg1: i32, %arg2: memref<1x1x2048xi32, #tpu.memory_space<vmem>>, %arg3: memref<2432x128xf32, #tpu.memory_space<vmem>>, %arg4: memref<2048x128xf32, #tpu.memory_space<vmem>>, %arg5: memref<2048x128xf32, #tpu.memory_space<vmem>>) attributes {dimension_semantics = [#tpu.dimension_semantics<arbitrary>, #tpu.dimension_semantics<arbitrary>], iteration_bounds = array<i64: 8, 10>, scalar_prefetch = 0 : i64, scratch_operands = 1 : i64, tpu.core_type = #tpu.core_type<tc>, window_params = [{transform_indices = @transform_0, window_bounds = array<i64: 1, 1, 2048>}, {pipeline_mode = #tpu.pipeline_mode<synchronous>, transform_indices = @transform_1, window_bounds = array<i64: 2432, 128>}, {transform_indices = @transform_2, window_bounds = array<i64: 2048, 128>}]} {
    %eq3A = arith.constant 0 : i32
    %eq3A_0 = arith.cmpi eq, %arg1, %eq3A : i32
    %convert_element_type3A = arith.extui %eq3A_0 : i1 to i32
    %cond3A = arith.constant 0 : i32
    %cond3A_1 = arith.cmpi ne, %convert_element_type3A, %cond3A : i32
    scf.if %cond3A_1 {
      %get3A_6 = arith.constant 0 : index
      %get3A_7 = arith.constant 0 : index
      %get3A_8 = arith.constant 0 : index
      %get3A_9 = vector.load %arg2[%get3A_6, %get3A_7, %get3A_8] : memref<1x1x2048xi32, #tpu.memory_space<vmem>>, vector<1x1x2048xi32>
      %get3A_10 = vector.shape_cast %get3A_9 : vector<1x1x2048xi32> to vector<2048xi32>
      %iota3A = tpu.iota {dimensions = array<i32: 1>} : vector<2048x2432xi32>
      %broadcast_in_dim3A = vector.shape_cast %get3A_10 : vector<2048xi32> to vector<2048x1xi32>
      %eq3A_11 = vector.broadcast %broadcast_in_dim3A : vector<2048x1xi32> to vector<2048x2432xi32>
      %eq3A_12 = arith.cmpi eq, %eq3A_11, %iota3A : vector<2048x2432xi32>
      %convert_element_type3A_13 = arith.extui %eq3A_12 : vector<2048x2432xi1> to vector<2048x2432xi32>
      %convert_element_type3A_14 = arith.sitofp %convert_element_type3A_13 : vector<2048x2432xi32> to vector<2048x2432xf32>
      %get3A_15 = arith.constant 0 : index
      %get3A_16 = arith.constant 0 : index
      %get3A_17 = vector.load %arg3[%get3A_15, %get3A_16] : memref<2432x128xf32, #tpu.memory_space<vmem>>, vector<2432x128xf32>
      %dot_general3A = arith.constant dense<0.000000e+00> : vector<2048x128xf32>
      %dot_general3A_18 = tpu.matmul %convert_element_type3A_14, %get3A_17, %dot_general3A {dimension_numbers = #tpu.dot_dimension_numbers<[1], [0], [0], [1], [0, 0, 1, 1], [], []>, precision = #tpu.contract_precision<fp32>, transpose_lhs_hint = false} : vector<2048x2432xf32>, vector<2432x128xf32>, vector<2048x128xf32> -> vector<2048x128xf32>
      %swap3A_19 = arith.constant 0 : index
      %swap3A_20 = arith.constant 0 : index
      %swap3A_21 = vector.load %arg5[%swap3A_19, %swap3A_20] : memref<2048x128xf32, #tpu.memory_space<vmem>>, vector<2048x128xf32>
      tpu.vector_store %arg5[%swap3A_19, %swap3A_20], %dot_general3A_18 {strides = array<i32>} : memref<2048x128xf32, #tpu.memory_space<vmem>>, vector<2048x128xf32>,
    } else {
    }
    %get3A = arith.constant 0 : index
    %get3A_2 = arith.constant 0 : index
    %get3A_3 = vector.load %arg5[%get3A, %get3A_2] : memref<2048x128xf32, #tpu.memory_space<vmem>>, vector<2048x128xf32>
    %swap3A = arith.constant 0 : index
    %swap3A_4 = arith.constant 0 : index
    %swap3A_5 = vector.load %arg4[%swap3A, %swap3A_4] : memref<2048x128xf32, #tpu.memory_space<vmem>>, vector<2048x128xf32>
    tpu.vector_store %arg4[%swap3A, %swap3A_4], %get3A_3 {strides = array<i32>} : memref<2048x128xf32, #tpu.memory_space<vmem>>, vector<2048x128xf32>,
    return
  }
  func.func @transform_0(%arg0: i32, %arg1: i32) -> (i32, i32, i32) {
    %c0_i32 = arith.constant 0 : i32
    %c0_i32_0 = arith.constant 0 : i32
    %c0_i32_1 = arith.constant 0 : i32
    return %arg0, %c0_i32, %c0_i32_0 : i32, i32, i32
  }
  func.func @transform_1(%arg0: i32, %arg1: i32) -> (i32, i32) {
    %c0_i32 = arith.constant 0 : i32
    %c0_i32_0 = arith.constant 0 : i32
    %c0_i32_1 = arith.constant 0 : i32
    return %c0_i32, %c0_i32_0 : i32, i32
  }
  func.func @transform_2(%arg0: i32, %arg1: i32) -> (i32, i32) {
    %mul3A = arith.constant 8 : i32
    %mul3A_0 = arith.muli %arg1, %mul3A : i32
    %add3A = arith.addi %mul3A_0, %arg0 : i32
    %c0_i32 = arith.constant 0 : i32
    %c0_i32_1 = arith.constant 0 : i32
    return %add3A, %c0_i32 : i32, i32
  }
}

</mosaic_0001>

<sc_bundles>
// kernel: kernel.4.cloned.1.call-start
scs
__scs_entry_jumppad:
0x0: {  	(pc) =	sbr.rel $0x88, $3  }
0x1: {  	(tag) =	ssettag $0x0;
	lr =	simm.s32 $0x1  }
0x2: {  	[smem:$0x3F9C] =	sst lr;
	_ =	strace $0xD0000000  }
0x3: {  	_ = 	snop  }
0x4: {  	_ = 	snop  }
0x5: {  	_ = 	snop  }
0x6: {  	_ = 	snop  }
0x7: {  	_ = 	snop  }
__scs_overlays_trampoline_lowered:
0x8: {  	[smem:$0x3FAB] =	sst s0  }
0x9: {  	[smem:$0x3FAC] =	sst s1  }
0xa: {  	[smem:$0x3FAD] =	sst s2  }
0xb: {  	[smem:$0x3FAE] =	sst s3  }
0xc: {  	[smem:$0x3FAF] =	sst s4  }
0xd: {  	[smem:$0x3FB0] =	sst s5  }
0xe: {  	[smem:$0x3FB1] =	sst s6  }
0xf: {  	[smem:$0x3FB2] =	sst s7  }
0x10: {  	[smem:$0x3FB3] =	sst s8  }
0x11: {  	[smem:$0x3FB4] =	sst s9;
	s0 =	simm.s32 @!p0 $0x0  }
0x12: {  	s1 =	sld [smem:$0x3F9A];
	s0 =	simm.s32 @p0 $0x1  }
0x13: {  	[smem:$0x3FB5] =	sst s0;
	s0 =	simm.s32 @!p1 $0x0  }
0x14: {  	s2 =	sld [smem:$0x3F99];
	s0 =	simm.s32 @p1 $0x1  }
0x15: {  	[smem:$0x3FB6] =	sst s0;
	s0 =	simm.s32 @!p2 $0x0  }
0x16: {  	s3 =	sld [smem:$0x3FDB];
	s0 =	simm.s32 @p2 $0x1  }
0x17: {  	s4 =	simm.s32 $0x1BF5;
	[smem:$0x3FB8] =	sst s0  }
0x18: {  	s0 =	sld [smem:$0x3F9B];
	_ =	swait.ge [sflag:s4], $0x0  }
0x19: {  	s7 =	sld [smem:$0x3F9C]  }
0x1a: {  	s8 =	sadd.s32 $0xFFFFE003, lr  }
0x1b: {  	s9 =	sadd.s32 $0xFFFFFEF7, lr;
	s5 =	simm.s32 $0xFFFFFFFF;
	p2 =	slt.u32 s8, $0xFFFFF086  }
0x1c: {  	p1 =	slt.u32 s9, $0xF7A;
	s5 =	simm.s32 @!p2 $0x0  }
0x1d: {  	s5 =	simm.s32 @p1 $0x1;
	p0 =	seq.s32 s7, s2  }
0x1e: {  	s7 =	smul.u32 @!p0 $0xF7A, s2;
	p2 =	seq.s32 @!p0 s5, $0x0  }
0x1f: {  	s9 =	smul.u32 $0xF7A, s1;
	s8 =	simm.s32 @!p0 $0x1BF5;
	p2 =	por !p2, p0  }
0x20: {  	[sflag:s8] =	ssyncset.s32 @!p0 $0xFFFFF086;
	s6 =	sadd.s32 @!p0 s3, s7;
	s7 =	simm.s32 @!p0 $0x108  }
0x21: {  	s3 =	sadd.s32 s3, s9;
	s6 =	sadd.s32 @!p0 $0x88, s6;
	s7 =	simm.s32 @p2 $0x1082  }
0x22: {  	[simem:s7], [sflag:s8] =	dma.local @!p0 [hbm:s6], $0xF7A  }
0x23: {  	s9 =	sor.u32 $0xD0000000, s2;
	s6 =	simm.s32 $0x108;
	_ =	swait.ge @!p0 [sflag:s8], $0x0  }
0x24: {  	s3 =	sadd.s32 $0x88, s3;
	s6 =	simm.s32 @!p1 $0x1082;
	[sflag:s4] =	ssyncset.s32 $0xFFFFF086  }
0x25: {  	[simem:s6], [sflag:s4] =	dma.local [hbm:s3], $0xF7A  }
0x26: {  	[smem:$0x3F9C] =	sst s1;
	(tag) =	ssettag s2;
	_ =	strace s9  }
0x27: {  	s1 =	sld [smem:$0x3FAC]  }
0x28: {  	s2 =	sld [smem:$0x3FAD]  }
0x29: {  	s4 =	sld [smem:$0x3FAF]  }
0x2a: {  	p0 =	seq.s32 s5, $0x0;
	s5 =	sld [smem:$0x3FB0]  }
0x2b: {  	s6 =	sld [smem:$0x3FB1]  }
0x2c: {  	s7 =	sld [smem:$0x3FB2]  }
0x2d: {  	s3 =	simm.s32 $0x108;
	s8 =	sld [smem:$0x3FB3]  }
0x2e: {  	s3 =	simm.s32 @!p0 $0x1082;
	s9 =	sld [smem:$0x3FB4]  }
0x2f: {  	lr =	sadd.s32 s0, s3;
	s0 =	sld [smem:$0x3FAB]  }
0x30: {  	s3 =	sld [smem:$0x3FAE]  }
0x31: {  	[smem:$0x3FB7] =	sst s10  }
0x32: {  	s10 =	sld [smem:$0x3FB5];
	_ =	sdelay $0x3  }
0x33: {  	p0 =	seq.s32 s10, $0x1;
	s10 =	sld [smem:$0x3FB7];
	_ =	sdelay $0x3  }
0x34: {  	[smem:$0x3FB7] =	sst s10  }
0x35: {  	s10 =	sld [smem:$0x3FB6];
	_ =	sdelay $0x3  }
0x36: {  	p1 =	seq.s32 s10, $0x1;
	s10 =	sld [smem:$0x3FB7];
	_ =	sdelay $0x3  }
0x37: {  	[smem:$0x3FB7] =	sst s10  }
0x38: {  	s10 =	sld [smem:$0x3FB8]  }
0x39: {  	_ = 	snop;
	(pc) =	sbr.ind lr, $3  }
0x3a: {  	_ = 	snop  }
0x3b: {  	_ = 	snop  }
0x3c: {  	p2 =	seq.s32 s10, $0x1;
	s10 =	sld [smem:$0x3FB7]  }
0x3d: {  	_ =	shalt  }
0x3e: {  	_ =	shalt  }
0x3f: {  	_ =	shalt  }
0x40: {  	_ =	shalt  }
0x41: {  	_ =	shalt  }
0x42: {  	_ =	shalt  }
0x43: {  	_ =	shalt  }
0x44: {  	_ =	shalt  }
0x45: {  	_ =	shalt  }
0x46: {  	_ =	shalt  }
0x47: {  	_ =	shalt  }
0x48: {  	_ =	shalt  }
0x49: {  	_ =	shalt  }
0x4a: {  	_ =	shalt  }
0x4b: {  	_ =	shalt  }
0x4c: {  	_ =	shalt  }
0x4d: {  	_ =	shalt  }
0x4e: {  	_ =	shalt  }
0x4f: {  	_ =	shalt  }
0x50: {  	_ =	shalt  }
0x51: {  	_ =	shalt  }
0x52: {  	_ =	shalt  }
0x53: {  	_ =	shalt  }
0x54: {  	_ =	shalt  }
0x55: {  	_ =	shalt  }
0x56: {  	_ =	shalt  }
0x57: {  	_ =	shalt  }
0x58: {  	_ =	shalt  }
0x59: {  	_ =	shalt  }
0x5a: {  	_ =	shalt  }
0x5b: {  	_ =	shalt  }
0x5c: {  	_ =	shalt  }
0x5d: {  	_ =	shalt  }
0x5e: {  	_ =	shalt  }
0x5f: {  	_ =	shalt  }
0x60: {  	_ =	shalt  }
0x61: {  	_ =	shalt  }
0x62: {  	_ =	shalt  }
0x63: {  	_ =	shalt  }
0x64: {  	_ =	shalt  }
0x65: {  	_ =	shalt  }
0x66: {  	_ =	shalt  }
0x67: {  	_ =	shalt  }
0x68: {  	_ =	shalt  }
0x69: {  	_ =	shalt  }
0x6a: {  	_ =	shalt  }
0x6b: {  	_ =	shalt  }
0x6c: {  	_ =	shalt  }
0x6d: {  	_ =	shalt  }
0x6e: {  	_ =	shalt  }
0x6f: {  	_ =	shalt  }
0x70: {  	_ =	shalt  }
0x71: {  	_ =	shalt  }
0x72: {  	_ =	shalt  }
0x73: {  	_ =	shalt  }
0x74: {  	_ =	shalt  }
0x75: {  	_ =	shalt  }
0x76: {  	_ =	shalt  }
0x77: {  	_ =	shalt  }
0x78: {  	_ =	shalt  }
0x79: {  	_ =	shalt  }
0x7a: {  	_ =	shalt  }
0x7b: {  	_ =	shalt  }
0x7c: {  	_ =	shalt  }
0x7d: {  	_ =	shalt  }
0x7e: {  	_ =	shalt  }
0x7f: {  	_ =	shalt  }
0x80: {  	_ =	shalt  }
0x81: {  	_ =	shalt  }
0x82: {  	_ =	shalt  }
0x83: {  	_ =	shalt  }
0x84: {  	_ =	shalt  }
0x85: {  	_ =	shalt  }
0x86: {  	_ =	shalt  }
0x87: {  	_ =	shalt  }
.Lfunc_end0:
.L_simem_size_0:
called_computation_lowered:
.L_overlay_start_0:
0x88: {  	s2 =	sld [smem:$0x3FD9]  }
0x89: {  	s3 =	sld [smem:$0x3FFE];
	_ =	sdelay $0x1  }
0x8a: {  	s1 =	srdreg.scid  }
0x8b: {  	s0 =	sand.u32 $0x1, s1  }
0x8c: {  	s14 =	sshll.u32 s0, $0xA;
	s2 =	sadd.s32 s3, s2  }
0x8d: {  	s2 =	sadd.s32 s2, s14  }
0x8e: {  	[smem:$0x3FC3] =	sst s2  }
0x8f: {  	_ = 	snop  }
0x90: {  	s2 =	sld [smem:$0x3FD0];
	_ =	sdelay $0x2  }
0x91: {  	s4 =	simm.s32 $0xA;
	s5 =	simm.s32 $0x10;
	s15 =	sld [smem:$0x3FC5]  }
0x92: {  	[smem:s5], [sflag:s4] =	dma.local [hbm:s2], $0x1  }
0x93: {  	_ =	swait.eq [sflag:s4], $0x1  }
0x94: {  	[sflag:s4] =	ssyncset.done $0x0  }
0x95: {  	s16 =	sld [smem:$0x11];
	[sflag:s4] =	ssyncadd.s32 $0xFFFFFFFF  }
0x96: {  	s17 =	sld [smem:$0x12];
	(tm) =	ssettm $0x1  }
0x97: {  	s18 =	sld [smem:$0x3FFB];
	_ =	sdelay $0x3  }
0x98: {  	_ =	strace s18  }
0x99: {  	s5 =	sld [smem:$0x3FFC];
	_ =	sdelay $0x3  }
0x9a: {  	_ =	strace s5  }
0x9b: {  	s5 =	sld [smem:$0x3FFD];
	_ =	sdelay $0x3  }
0x9c: {  	_ =	strace s5  }
0x9d: {  	_ =	strace $0x8FFFFFFF  }
0x9e: {  	s19 =	sld [smem:$0x3FDB];
	_ =	sdelay $0x1  }
0x9f: {  	s6 =	simm.s32 $_scs_section_size  }
0xa0: {  	s7 =	simm.s32 $_size__tile_overlayer_lowered;
	s8 =	simm.s32 $_tile_overlayer_lowered  }
0xa1: {  	s22 =	simm.s32 $0x1BFF;
	s21 =	sshll.u32 s8, $0x1;
	s5 =	sadd.s32 s6, s19  }
0xa2: {  	s9 =	simm.s32 $0x0;
	s20 =	sshll.u32 s7, $0x1;
	s7 =	sadd.s32 s21, s5  }
0xa3: {  	[timem:s9], [sflag:s22] =	dma.local [hbm:s7], s20  }
0xa4: {  	_ =	swait.ge [sflag:s22], s20  }
0xa5: {  	s6 =	ssub.s32 $0x0, s20;
	[sflag:s22] =	ssyncset.done $0x0  }
0xa6: {  	[sflag:s22] =	ssyncadd.s32 s6;
	_ =	sdelay $0x1  }
0xa7: {  	s23 =	simm.s32 $0x1B8B  }
0xa8: {  	_ =	swait.ge [sflag:s23], $0x1  }
0xa9: {  	[sflag:s23] =	ssyncset.done $0x0  }
0xaa: {  	s25 =	simm.s32 $0x1B8E;
	s24 =	sld [smem:$0x3FFE];
	[sflag:s23] =	ssyncadd.s32 $0xFFFFFFFF  }
0xab: {  	s26 =	simm.s32 $execute0_lowered;
	[smem:$0x3FD2] =	sst s25  }
0xac: {  	s7 =	sshll.u32 s26, $0x1;
	_ =	strace $0x80000046;
	[dreg:$0x1] =	wrdreg $0xFFFFFFFF  }
0xad: {  	s28 =	simm.s32 $_size_execute0_lowered;
	s5 =	sadd.s32 s5, s7;
	[dreg:$0x0] =	wrdreg $0x0  }
0xae: {  	s7 =	sshll.u32 s28, $0x1;
	[dreg:$0x2] =	wrdreg s5  }
0xaf: {  	[dreg:$0x3] =	wrdreg s7  }
0xb0: {  	[dreg:$0x4] =	wrdreg $0xC0  }
0xb1: {  	_ =	task [dreg:s9], $0x5FFFF  }
0xb2: {  	[dreg:$0x1] =	wrdreg $0xFFFFFFFF  }
0xb3: {  	[dreg:$0x0] =	wrdreg $0x60  }
0xb4: {  	[dreg:$0x2] =	wrdreg s24  }
0xb5: {  	[dreg:$0x3] =	wrdreg s15  }
0xb6: {  	[dreg:$0x4] =	wrdreg s16  }
0xb7: {  	[dreg:$0x5] =	wrdreg s17  }
0xb8: {  	[dreg:$0x6] =	wrdreg $0x0  }
0xb9: {  	[dreg:$0x7] =	wrdreg $0x9  }
0xba: {  	_ =	task.clear_ibuf [dreg:s9], $0x8FFFF;
	_ =	strace $0x90000046  }
0xbb: {  	s29 =	simm.s32 $0x9;
	_ =	strace $0x80000048  }
0xbc: {  	_ =	swait.ge [sflag:s29], $0x1  }
0xbd: {  	[sflag:s29] =	ssyncadd.s32 $0xFFFFFFFF  }
0xbe: {  	_ =	strace $0x90000048  }
0xbf: {  	_ =	sfence  }
0xc0: {  	s30 =	sld [smem:$0x0];
	_ =	sdelay $0x2  }
0xc1: {  	s31 =	sshll.u32 s1, $0xD;
	s1 =	sshrl.u32 s1, $0x2  }
0xc2: {  	s3 =	sand.u32 $0x4000, s31;
	s1 =	sadd.s32 s1, s30  }
0xc3: {  	s0 =	sor.u32 s3, s0;
	s1 =	sshll.u32 s1, $0x11  }
0xc4: {  	s0 =	sor.u32 s1, s0  }
0xc5: {  	s0 =	sadd.s32 $0x8F2B, s0  }
0xc6: {  	[sflag:s0] =	ssyncadd.remote.s32 $0x1  }
0xc7: {  	_ =	sfence.sel $0xFFFF  }
0xc8: {  	[dreg:$0x0] =	wrdreg $0xFFFFFFFF;
	(pc) =	sbr.abs _section_cstart, $3  }
0xc9: {  	[dreg:$0x1] =	wrdreg $0xFFFFFFFF  }
0xca: {  	_ =	task.clear_ibuf [dreg:s9], $0x2FFFF;
	_ =	strace $0x9FFFFFFF  }
0xcb: {  	(tm) =	ssettm $0x7FFFFFFF  }
tec
execute0_lowered:
.L_overlay_start_1:
0x0: {  	(tag) =	ssettag $0x1  }
0x1: {  	s0 =	rddreg [dreg:$0x0];
	s4 =	stileid.u32  }
0x2: {  	s1 =	rddreg [dreg:$0x2];
	s15 =	smul.u32 $0x140000, s4  }
0x3: {  	s2 =	srdreg.scid;
	s19 =	smul.u32 $0x28000, s4  }
0x4: {  	s5 =	rddreg [dreg:$0x3];
	s6 =	sand.u32 $0x1, s2;
	s20 =	smul.u32 $0x640000, s4  }
0x5: {  	s29 =	simm.s32 $0x14328;
	s31 =	simm.s32 $0x18328;
	s17 =	smul.u32 $0xA0000, s6  }
0x6: {  	s28 =	simm.s32 $0x4;
	s30 =	simm.s32 $0x5;
	s21 =	smul.u32 $0x320000, s6  }
0x7: {  	s3 =	sshll.u32 s4, $0x1;
	s2 =	rddreg [dreg:$0x4];
	s23 =	smul.u32 $0x14000, s6  }
0x8: {  	s7 =	sor.u32 s6, s3;
	s10 =	ssub.s32 $0x2, s6;
	s6 =	smul.u32 $0x64000, s6  }
0x9: {  	p0 =	sne.s32 s4, $0x0;
	s3 =	simm.s32 $0x0;
	s8 =	smul.u32 $0x1400, s7  }
0xa: {  	[smem:$0x7FF] =	sst s3;
	s9 =	smul.u32 $0x6400, s7;
	s11 =	sshrl.u32 s10, $0x1  }
0xb: {  	s26 =	smul.u32 $0xA0000, s7;
	_ =	strace $0x80000047;
	s25 =	ssub.s32 s10, s11  }
0xc: {  	s11 =	smul.u32 $0x320000, s7;
	s24 =	sadd.s32 s21, s20;
	s20 =	simm.s32 $0x4B28  }
0xd: {  	s21 =	simm.s32 $0x9;
	s8 =	sshrl.u32 s8, $0x3;
	s9 =	sshrl.u32 s9, $0x3  }
0xe: {  	s12 =	sshrl.u32 s26, $0x3;
	s8 =	sadd.s32 s8, s0;
	s0 =	sadd.s32 s9, s0  }
0xf: {  	s9 =	smax.u32 s25, $0x1;
	s16 =	sshrl.u32 s11, $0x3;
	s25 =	smul.u32 $0xC8000, s4  }
0x10: {  	s4 =	simm.s32 $0x6;
	s8 =	sadd.s32 $0x19E00, s8;
	[dreg:$0x8] =	wrdreg s9  }
0x11: {  	s0 =	sadd.s32 $0xE00, s0;
	[dreg:$0x6] =	wrdreg s8;
	s8 =	smul.u32 $0x14000, s7  }
0x12: {  	s9 =	sadd.s32 s1, s12;
	[dreg:$0x7] =	wrdreg s0;
	s7 =	smul.u32 $0x64000, s7  }
0x13: {  	[dreg:$0x9] =	wrdreg s9;
	s26 =	sadd.s32 s25, s5;
	s0 =	sadd.s32 s8, s1  }
0x14: {  	s25 =	simm.s32 $0x3;
	s18 =	sadd.s32 s7, s5;
	s13 =	sadd.s32 $0x800, s0  }
0x15: {  	s8 =	sadd.s32 s17, s15;
	s14 =	sadd.s32 $0x1000, s0;
	[dreg:$0xa] =	wrdreg s13  }
0x16: {  	s7 =	simm.s32 $0x0;
	s0 =	sadd.s32 $0x1800, s0;
	[dreg:$0xb] =	wrdreg s14  }
0x17: {  	s12 =	sadd.s32 $0x800, s18;
	s8 =	sor.u32 $0x10000, s8;
	[dreg:$0xc] =	wrdreg s0  }
0x18: {  	s0 =	sadd.s32 s5, s16;
	s13 =	sadd.s32 $0x1000, s18;
	s14 =	sadd.s32 $0x1800, s18  }
0x19: {  	s22 =	sshrl.u32 s8, $0x3;
	s18 =	sadd.s32 s6, s26;
	s26 =	simm.s32 $0x10328  }
0x1a: {  	s6 =	simm.s32 $0x8;
	[dreg:$0xd] =	wrdreg s0;
	s15 =	sadd.s32 s22, s1  }
0x1b: {  	s1 =	sadd.s32 s19, s1;
	s0 =	sor.u32 $0x10000, s24;
	s19 =	sshrl.u32 @!p0 s2, $0x3  }
0x1c: {  	s22 =	simm.s32 $0x5F28;
	s24 =	simm.s32 $0xC328;
	s16 =	sadd.s32 s23, s1  }
0x1d: {  	s0 =	sshrl.u32 s0, $0x3;
	s23 =	simm.s32 $0x80;
	s1 =	simm.s32 $0x1  }
0x1e: {  	s17 =	sadd.s32 s0, s5;
	s0 =	simm.s32 $0x2;
	s5 =	simm.s32 $0x7  }
.LBB2_1:
0x1f: {  	s8 =	simm.s32 @!p0 $0x1C09;
	s9 =	rddreg [dreg:$0x1]  }
0x20: {  	[spmem:s19], [sflag:s8] =	dma.local @!p0 [hbm:s9], $0x9650  }
0x21: {  	s8 =	simm.s32 @!p0 $0x9  }
0x22: {  	_ =	swait.ge @!p0 [sflag:s8], $0x9650  }
0x23: {  	[sflag:s8] =	ssyncset.done @!p0 $0x0  }
0x24: {  	s11 =	rddreg [dreg:$0x6];
	[sflag:s8] =	ssyncadd.s32 @!p0 $0xFFFF69B0  }
0x25: {  	[tilespmem:s20], [sflag:$0x9] =	stream.linear.gather [hbm4b:s11+s3], $0x1400, $0x38;
	[tilespmem:$0x1C328] =	vst v63  }
0x26: {  	_ =	swait.ge [sflag:s21], $0x1400  }
0x27: {  	[sflag:s21] =	ssyncset.done $0x0  }
0x28: {  	s9 =	rddreg [dreg:$0x7];
	[sflag:s21] =	ssyncadd.s32 $0xFFFFEC00  }
0x29: {  	[tilespmem:s22], [sflag:$0x9] =	stream.linear.gather [hbm4b:s9+s3], $0x6400, $0x38;
	[tilespmem:$0x1C328] =	vst v63  }
0x2a: {  	_ =	swait.ge [sflag:s21], $0x6400  }
0x2b: {  	[sflag:s21] =	ssyncset.done $0x0  }
0x2c: {  	[sflag:s21] =	ssyncadd.s32 $0xFFFF9C00  }
0x2d: {  	[bflag:$0x0] =	sbarrier.arrive $0xFFFF  }
0x2e: {  	[tilespmem:s24], [sflag:$0x1] =	stream.indirect.gather [spmem:s2], $0x80, s20, s23, $0xb8;
	[tilespmem:$0x1C328] =	vst v63  }
0x2f: {  	s10 =	simm.s32 $0x4BA8  }
0x30: {  	[tilespmem:s26], [sflag:$0x2] =	stream.indirect.gather [spmem:s2], $0x80, s10, s23, $0xb8;
	[tilespmem:$0x1C328] =	vst v63  }
0x31: {  	s11 =	simm.s32 $0x4C28  }
0x32: {  	[tilespmem:s29], [sflag:$0x3] =	stream.indirect.gather [spmem:s2], $0x80, s11, s23, $0xb8;
	[tilespmem:$0x1C328] =	vst v63  }
0x33: {  	s9 =	simm.s32 $0x4CA8  }
0x34: {  	[tilespmem:s31], [sflag:$0x4] =	stream.indirect.gather [spmem:s2], $0x80, s9, s23, $0xb8;
	[tilespmem:$0x1C328] =	vst v63  }
0x35: {  	_ =	swait.ge [sflag:s1], $0x4000  }
0x36: {  	[sflag:s1] =	ssyncset.done $0x0  }
0x37: {  	s10 =	rddreg [dreg:$0x9];
	[sflag:s1] =	ssyncadd.s32 $0xFFFFC000  }
0x38: {  	[hbm4b:s10+s3] =	stream.linear.scatter [tilespmem:s24], [sflag:$0x5], $0x4000, $0x38;
	[tilespmem:$0x1C328] =	vst v63  }
0x39: {  	_ =	swait.ge [sflag:s0], $0x4000  }
0x3a: {  	[sflag:s0] =	ssyncset.done $0x0  }
0x3b: {  	s11 =	rddreg [dreg:$0xa];
	[sflag:s0] =	ssyncadd.s32 $0xFFFFC000  }
0x3c: {  	[hbm4b:s11+s3] =	stream.linear.scatter [tilespmem:s26], [sflag:$0x6], $0x4000, $0x38;
	[tilespmem:$0x1C328] =	vst v63  }
0x3d: {  	_ =	swait.ge [sflag:s25], $0x4000  }
0x3e: {  	[sflag:s25] =	ssyncset.done $0x0  }
0x3f: {  	s9 =	rddreg [dreg:$0xb];
	[sflag:s25] =	ssyncadd.s32 $0xFFFFC000  }
0x40: {  	[hbm4b:s9+s3] =	stream.linear.scatter [tilespmem:s29], [sflag:$0x7], $0x4000, $0x38;
	[tilespmem:$0x1C328] =	vst v63  }
0x41: {  	_ =	swait.ge [sflag:s28], $0x4000  }
0x42: {  	[sflag:s28] =	ssyncset.done $0x0  }
0x43: {  	s10 =	rddreg [dreg:$0xc];
	[sflag:s28] =	ssyncadd.s32 $0xFFFFC000  }
0x44: {  	[hbm4b:s10+s3] =	stream.linear.scatter [tilespmem:s31], [sflag:$0x8], $0x4000, $0x38;
	[tilespmem:$0x1C328] =	vst v63  }
0x45: {  	_ =	swait.ge [sflag:s30], $0x4000  }
0x46: {  	[sflag:s30] =	ssyncset.done $0x0  }
0x47: {  	s11 =	simm.s32 $0x4D28;
	[sflag:s30] =	ssyncadd.s32 $0xFFFFC000  }
0x48: {  	[tilespmem:s24], [sflag:$0x1] =	stream.indirect.gather [spmem:s2], $0x80, s11, s23, $0xb8;
	[tilespmem:$0x1C328] =	vst v63  }
0x49: {  	_ =	swait.ge [sflag:s4], $0x4000  }
0x4a: {  	[sflag:s4] =	ssyncset.done $0x0  }
0x4b: {  	s9 =	simm.s32 $0x4DA8;
	[sflag:s4] =	ssyncadd.s32 $0xFFFFC000  }
0x4c: {  	[tilespmem:s26], [sflag:$0x2] =	stream.indirect.gather [spmem:s2], $0x80, s9, s23, $0xb8;
	[tilespmem:$0x1C328] =	vst v63  }
0x4d: {  	_ =	swait.ge [sflag:s5], $0x4000  }
0x4e: {  	[sflag:s5] =	ssyncset.done $0x0  }
0x4f: {  	s10 =	simm.s32 $0x4E28;
	[sflag:s5] =	ssyncadd.s32 $0xFFFFC000  }
0x50: {  	[tilespmem:s29], [sflag:$0x3] =	stream.indirect.gather [spmem:s2], $0x80, s10, s23, $0xb8;
	[tilespmem:$0x1C328] =	vst v63  }
0x51: {  	_ =	swait.ge [sflag:s6], $0x4000  }
0x52: {  	[sflag:s6] =	ssyncset.done $0x0  }
0x53: {  	s11 =	simm.s32 $0x4EA8;
	[sflag:s6] =	ssyncadd.s32 $0xFFFFC000  }
0x54: {  	[tilespmem:s31], [sflag:$0x4] =	stream.indirect.gather [spmem:s2], $0x80, s11, s23, $0xb8;
	[tilespmem:$0x1C328] =	vst v63  }
0x55: {  	_ =	swait.ge [sflag:s1], $0x4000  }
0x56: {  	[sflag:s1] =	ssyncset.done $0x0  }
0x57: {  	s9 =	sadd.s32 $0x0, s15;
	[sflag:s1] =	ssyncadd.s32 $0xFFFFC000  }
0x58: {  	[hbm4b:s9+s3] =	stream.linear.scatter [tilespmem:s24], [sflag:$0x5], $0x4000, $0x38;
	[tilespmem:$0x1C328] =	vst v63  }
0x59: {  	_ =	swait.ge [sflag:s0], $0x4000  }
0x5a: {  	s9 =	sadd.s32 $0x0, s16;
	[sflag:s0] =	ssyncset.done $0x0  }
0x5b: {  	s10 =	sadd.s32 $0x2800, s9;
	[sflag:s0] =	ssyncadd.s32 $0xFFFFC000  }
0x5c: {  	[hbm4b:s10+s3] =	stream.linear.scatter [tilespmem:s26], [sflag:$0x6], $0x4000, $0x38;
	[tilespmem:$0x1C328] =	vst v63  }
0x5d: {  	_ =	swait.ge [sflag:s25], $0x4000  }
0x5e: {  	[sflag:s25] =	ssyncset.done $0x0  }
0x5f: {  	s11 =	sadd.s32 $0x3000, s9;
	[sflag:s25] =	ssyncadd.s32 $0xFFFFC000  }
0x60: {  	[hbm4b:s11+s3] =	stream.linear.scatter [tilespmem:s29], [sflag:$0x7], $0x4000, $0x38;
	[tilespmem:$0x1C328] =	vst v63  }
0x61: {  	_ =	swait.ge [sflag:s28], $0x4000  }
0x62: {  	s8 =	simm.s32 $0x2000;
	[sflag:s28] =	ssyncset.done $0x0  }
0x63: {  	s10 =	sadd.s32 $0x3800, s9;
	s9 =	simm.s32 $0x4F28;
	[sflag:s28] =	ssyncadd.s32 $0xFFFFC000  }
.LBB2_2:
0x64: {  	[hbm4b:s10+s3] =	stream.linear.scatter [tilespmem:s31], [sflag:$0x8], $0x4000, $0x38;
	[tilespmem:$0x1C328] =	vst v63  }
0x65: {  	s10 =	smov.u32 s8  }
0x66: {  	p1 =	sne.s32 s8, $0x10000;
	s8 =	sadd.s32 $0x2000, s8;
	_ =	swait.ge [sflag:s30], $0x4000  }
0x67: {  	[sflag:s30] =	ssyncset.done $0x0  }
0x68: {  	[sflag:s30] =	ssyncadd.s32 $0xFFFFC000  }
0x69: {  	[tilespmem:s24], [sflag:$0x1] =	stream.indirect.gather [spmem:s2], $0x80, s9, s23, $0xb8;
	[tilespmem:$0x1C328] =	vst v63  }
0x6a: {  	_ =	swait.ge [sflag:s4], $0x4000  }
0x6b: {  	[sflag:s4] =	ssyncset.done $0x0  }
0x6c: {  	s11 =	sadd.s32 $0x80, s9;
	[sflag:s4] =	ssyncadd.s32 $0xFFFFC000  }
0x6d: {  	[tilespmem:s26], [sflag:$0x2] =	stream.indirect.gather [spmem:s2], $0x80, s11, s23, $0xb8;
	[tilespmem:$0x1C328] =	vst v63  }
0x6e: {  	_ =	swait.ge [sflag:s5], $0x4000  }
0x6f: {  	[sflag:s5] =	ssyncset.done $0x0  }
0x70: {  	s11 =	sadd.s32 $0x100, s9;
	[sflag:s5] =	ssyncadd.s32 $0xFFFFC000  }
0x71: {  	[tilespmem:s29], [sflag:$0x3] =	stream.indirect.gather [spmem:s2], $0x80, s11, s23, $0xb8;
	[tilespmem:$0x1C328] =	vst v63  }
0x72: {  	_ =	swait.ge [sflag:s6], $0x4000  }
0x73: {  	[sflag:s6] =	ssyncset.done $0x0  }
0x74: {  	s11 =	sadd.s32 $0x180, s9;
	[sflag:s6] =	ssyncadd.s32 $0xFFFFC000  }
0x75: {  	[tilespmem:s31], [sflag:$0x4] =	stream.indirect.gather [spmem:s2], $0x80, s11, s23, $0xb8;
	[tilespmem:$0x1C328] =	vst v63  }
0x76: {  	_ =	swait.ge [sflag:s1], $0x4000  }
0x77: {  	[sflag:s1] =	ssyncset.done $0x0  }
0x78: {  	s11 =	sadd.s32 s10, s15;
	[sflag:s1] =	ssyncadd.s32 $0xFFFFC000  }
0x79: {  	[hbm4b:s11+s3] =	stream.linear.scatter [tilespmem:s24], [sflag:$0x5], $0x4000, $0x38;
	[tilespmem:$0x1C328] =	vst v63  }
0x7a: {  	_ =	swait.ge [sflag:s0], $0x4000  }
0x7b: {  	s10 =	sadd.s32 s10, s16;
	[sflag:s0] =	ssyncset.done $0x0  }
0x7c: {  	s11 =	sadd.s32 $0x2800, s10;
	[sflag:s0] =	ssyncadd.s32 $0xFFFFC000  }
0x7d: {  	[hbm4b:s11+s3] =	stream.linear.scatter [tilespmem:s26], [sflag:$0x6], $0x4000, $0x38;
	[tilespmem:$0x1C328] =	vst v63  }
0x7e: {  	_ =	swait.ge [sflag:s25], $0x4000  }
0x7f: {  	[sflag:s25] =	ssyncset.done $0x0  }
.Ltmp0:
0x80: {  	s11 =	sadd.s32 $0x3000, s10;
	[sflag:s25] =	ssyncadd.s32 $0xFFFFC000;
	(pc) =	sbr.rel @p1 .LBB2_2-.Ltmp0, $4  }
0x81: {  	[hbm4b:s11+s3] =	stream.linear.scatter [tilespmem:s29], [sflag:$0x7], $0x4000, $0x38;
	[tilespmem:$0x1C328] =	vst v63  }
0x82: {  	_ =	swait.ge [sflag:s28], $0x4000  }
0x83: {  	[sflag:s28] =	ssyncset.done $0x0  }
0x84: {  	s9 =	sadd.s32 $0x200, s9;
	s10 =	sadd.s32 $0x3800, s10;
	[sflag:s28] =	ssyncadd.s32 $0xFFFFC000  }
0x85: {  	[hbm4b:s10+s3] =	stream.linear.scatter [tilespmem:s31], [sflag:$0x8], $0x4000, $0x38;
	[tilespmem:$0x1C328] =	vst v63  }
0x86: {  	_ =	swait.ge [sflag:s30], $0x4000  }
0x87: {  	[sflag:s30] =	ssyncset.done $0x0  }
0x88: {  	[sflag:s30] =	ssyncadd.s32 $0xFFFFC000  }
0x89: {  	_ =	swait.ge [sflag:s4], $0x4000  }
0x8a: {  	[sflag:s4] =	ssyncset.done $0x0  }
0x8b: {  	[sflag:s4] =	ssyncadd.s32 $0xFFFFC000  }
0x8c: {  	_ =	swait.ge [sflag:s5], $0x4000  }
0x8d: {  	[sflag:s5] =	ssyncset.done $0x0  }
0x8e: {  	[sflag:s5] =	ssyncadd.s32 $0xFFFFC000  }
0x8f: {  	_ =	swait.ge [sflag:s6], $0x4000  }
0x90: {  	[sflag:s6] =	ssyncset.done $0x0  }
0x91: {  	[sflag:s6] =	ssyncadd.s32 $0xFFFFC000  }
0x92: {  	[tilespmem:s24], [sflag:$0x1] =	stream.indirect.gather [spmem:s2], $0x80, s22, s23, $0xb8;
	[tilespmem:$0x1C328] =	vst v63  }
0x93: {  	s8 =	simm.s32 $0x5FA8  }
0x94: {  	[tilespmem:s26], [sflag:$0x2] =	stream.indirect.gather [spmem:s2], $0x80, s8, s23, $0xb8;
	[tilespmem:$0x1C328] =	vst v63  }
0x95: {  	s11 =	simm.s32 $0x6028  }
0x96: {  	[tilespmem:s29], [sflag:$0x3] =	stream.indirect.gather [spmem:s2], $0x80, s11, s23, $0xb8;
	[tilespmem:$0x1C328] =	vst v63  }
0x97: {  	s9 =	simm.s32 $0x60A8  }
0x98: {  	[tilespmem:s31], [sflag:$0x4] =	stream.indirect.gather [spmem:s2], $0x80, s9, s23, $0xb8;
	[tilespmem:$0x1C328] =	vst v63  }
0x99: {  	_ =	swait.ge [sflag:s1], $0x4000  }
0x9a: {  	[sflag:s1] =	ssyncset.done $0x0  }
0x9b: {  	s10 =	simm.s32 $0x0;
	s9 =	rddreg [dreg:$0xd];
	[sflag:s1] =	ssyncadd.s32 $0xFFFFC000  }
0x9c: {  	[hbm4b:s9+s10] =	stream.linear.scatter [tilespmem:s24], [sflag:$0x5], $0x4000, $0x38;
	[tilespmem:$0x1C328] =	vst v63  }
0x9d: {  	_ =	swait.ge [sflag:s0], $0x4000  }
0x9e: {  	[sflag:s0] =	ssyncset.done $0x0  }
0x9f: {  	[sflag:s0] =	ssyncadd.s32 $0xFFFFC000  }
0xa0: {  	[hbm4b:s12+s10] =	stream.linear.scatter [tilespmem:s26], [sflag:$0x6], $0x4000, $0x38;
	[tilespmem:$0x1C328] =	vst v63  }
0xa1: {  	_ =	swait.ge [sflag:s25], $0x4000  }
0xa2: {  	[sflag:s25] =	ssyncset.done $0x0  }
0xa3: {  	[sflag:s25] =	ssyncadd.s32 $0xFFFFC000  }
0xa4: {  	[hbm4b:s13+s10] =	stream.linear.scatter [tilespmem:s29], [sflag:$0x7], $0x4000, $0x38;
	[tilespmem:$0x1C328] =	vst v63  }
0xa5: {  	_ =	swait.ge [sflag:s28], $0x4000  }
0xa6: {  	[sflag:s28] =	ssyncset.done $0x0  }
0xa7: {  	[sflag:s28] =	ssyncadd.s32 $0xFFFFC000  }
0xa8: {  	[hbm4b:s14+s10] =	stream.linear.scatter [tilespmem:s31], [sflag:$0x8], $0x4000, $0x38;
	[tilespmem:$0x1C328] =	vst v63  }
0xa9: {  	_ =	swait.ge [sflag:s30], $0x4000  }
0xaa: {  	[sflag:s30] =	ssyncset.done $0x0  }
0xab: {  	s11 =	simm.s32 $0x6128;
	[sflag:s30] =	ssyncadd.s32 $0xFFFFC000  }
0xac: {  	[tilespmem:s24], [sflag:$0x1] =	stream.indirect.gather [spmem:s2], $0x80, s11, s23, $0xb8;
	[tilespmem:$0x1C328] =	vst v63  }
0xad: {  	_ =	swait.ge [sflag:s4], $0x4000  }
0xae: {  	[sflag:s4] =	ssyncset.done $0x0  }
0xaf: {  	s9 =	simm.s32 $0x61A8;
	[sflag:s4] =	ssyncadd.s32 $0xFFFFC000  }
0xb0: {  	[tilespmem:s26], [sflag:$0x2] =	stream.indirect.gather [spmem:s2], $0x80, s9, s23, $0xb8;
	[tilespmem:$0x1C328] =	vst v63  }
0xb1: {  	_ =	swait.ge [sflag:s5], $0x4000  }
0xb2: {  	[sflag:s5] =	ssyncset.done $0x0  }
0xb3: {  	s10 =	simm.s32 $0x6228;
	[sflag:s5] =	ssyncadd.s32 $0xFFFFC000  }
0xb4: {  	[tilespmem:s29], [sflag:$0x3] =	stream.indirect.gather [spmem:s2], $0x80, s10, s23, $0xb8;
	[tilespmem:$0x1C328] =	vst v63  }
0xb5: {  	_ =	swait.ge [sflag:s6], $0x4000  }
0xb6: {  	[sflag:s6] =	ssyncset.done $0x0  }
0xb7: {  	s11 =	simm.s32 $0x62A8;
	[sflag:s6] =	ssyncadd.s32 $0xFFFFC000  }
0xb8: {  	[tilespmem:s31], [sflag:$0x4] =	stream.indirect.gather [spmem:s2], $0x80, s11, s23, $0xb8;
	[tilespmem:$0x1C328] =	vst v63  }
0xb9: {  	_ =	swait.ge [sflag:s1], $0x4000  }
0xba: {  	[sflag:s1] =	ssyncset.done $0x0  }
0xbb: {  	s9 =	sadd.s32 $0x0, s17;
	[sflag:s1] =	ssyncadd.s32 $0xFFFFC000  }
0xbc: {  	[hbm4b:s9+s3] =	stream.linear.scatter [tilespmem:s24], [sflag:$0x5], $0x4000, $0x38;
	[tilespmem:$0x1C328] =	vst v63  }
0xbd: {  	_ =	swait.ge [sflag:s0], $0x4000  }
0xbe: {  	s9 =	sadd.s32 $0x0, s18;
	[sflag:s0] =	ssyncset.done $0x0  }
0xbf: {  	s10 =	sadd.s32 $0x2800, s9;
	[sflag:s0] =	ssyncadd.s32 $0xFFFFC000  }
0xc0: {  	[hbm4b:s10+s3] =	stream.linear.scatter [tilespmem:s26], [sflag:$0x6], $0x4000, $0x38;
	[tilespmem:$0x1C328] =	vst v63  }
0xc1: {  	_ =	swait.ge [sflag:s25], $0x4000  }
0xc2: {  	[sflag:s25] =	ssyncset.done $0x0  }
0xc3: {  	s11 =	sadd.s32 $0x3000, s9;
	[sflag:s25] =	ssyncadd.s32 $0xFFFFC000  }
0xc4: {  	[hbm4b:s11+s3] =	stream.linear.scatter [tilespmem:s29], [sflag:$0x7], $0x4000, $0x38;
	[tilespmem:$0x1C328] =	vst v63  }
0xc5: {  	_ =	swait.ge [sflag:s28], $0x4000  }
0xc6: {  	s8 =	simm.s32 $0x2000;
	[sflag:s28] =	ssyncset.done $0x0  }
0xc7: {  	s10 =	sadd.s32 $0x3800, s9;
	s9 =	simm.s32 $0x6328;
	[sflag:s28] =	ssyncadd.s32 $0xFFFFC000  }
.LBB2_4:
0xc8: {  	[hbm4b:s10+s3] =	stream.linear.scatter [tilespmem:s31], [sflag:$0x8], $0x4000, $0x38;
	[tilespmem:$0x1C328] =	vst v63  }
0xc9: {  	s10 =	smov.u32 s8  }
0xca: {  	p1 =	sne.s32 s8, $0x60000;
	s8 =	sadd.s32 $0x2000, s8;
	_ =	swait.ge [sflag:s30], $0x4000  }
0xcb: {  	[sflag:s30] =	ssyncset.done $0x0  }
0xcc: {  	[sflag:s30] =	ssyncadd.s32 $0xFFFFC000  }
0xcd: {  	[tilespmem:s24], [sflag:$0x1] =	stream.indirect.gather [spmem:s2], $0x80, s9, s23, $0xb8;
	[tilespmem:$0x1C328] =	vst v63  }
0xce: {  	_ =	swait.ge [sflag:s4], $0x4000  }
0xcf: {  	[sflag:s4] =	ssyncset.done $0x0  }
0xd0: {  	s11 =	sadd.s32 $0x80, s9;
	[sflag:s4] =	ssyncadd.s32 $0xFFFFC000  }
0xd1: {  	[tilespmem:s26], [sflag:$0x2] =	stream.indirect.gather [spmem:s2], $0x80, s11, s23, $0xb8;
	[tilespmem:$0x1C328] =	vst v63  }
0xd2: {  	_ =	swait.ge [sflag:s5], $0x4000  }
0xd3: {  	[sflag:s5] =	ssyncset.done $0x0  }
0xd4: {  	s11 =	sadd.s32 $0x100, s9;
	[sflag:s5] =	ssyncadd.s32 $0xFFFFC000  }
0xd5: {  	[tilespmem:s29], [sflag:$0x3] =	stream.indirect.gather [spmem:s2], $0x80, s11, s23, $0xb8;
	[tilespmem:$0x1C328] =	vst v63  }
0xd6: {  	_ =	swait.ge [sflag:s6], $0x4000  }
0xd7: {  	[sflag:s6] =	ssyncset.done $0x0  }
0xd8: {  	s11 =	sadd.s32 $0x180, s9;
	[sflag:s6] =	ssyncadd.s32 $0xFFFFC000  }
0xd9: {  	[tilespmem:s31], [sflag:$0x4] =	stream.indirect.gather [spmem:s2], $0x80, s11, s23, $0xb8;
	[tilespmem:$0x1C328] =	vst v63  }
0xda: {  	_ =	swait.ge [sflag:s1], $0x4000  }
0xdb: {  	[sflag:s1] =	ssyncset.done $0x0  }
0xdc: {  	s11 =	sadd.s32 s10, s17;
	[sflag:s1] =	ssyncadd.s32 $0xFFFFC000  }
0xdd: {  	[hbm4b:s11+s3] =	stream.linear.scatter [tilespmem:s24], [sflag:$0x5], $0x4000, $0x38;
	[tilespmem:$0x1C328] =	vst v63  }
0xde: {  	_ =	swait.ge [sflag:s0], $0x4000  }
0xdf: {  	s10 =	sadd.s32 s10, s18;
	[sflag:s0] =	ssyncset.done $0x0  }
0xe0: {  	s11 =	sadd.s32 $0x2800, s10;
	[sflag:s0] =	ssyncadd.s32 $0xFFFFC000  }
0xe1: {  	[hbm4b:s11+s3] =	stream.linear.scatter [tilespmem:s26], [sflag:$0x6], $0x4000, $0x38;
	[tilespmem:$0x1C328] =	vst v63  }
0xe2: {  	_ =	swait.ge [sflag:s25], $0x4000  }
0xe3: {  	[sflag:s25] =	ssyncset.done $0x0  }
.Ltmp1:
0xe4: {  	s11 =	sadd.s32 $0x3000, s10;
	[sflag:s25] =	ssyncadd.s32 $0xFFFFC000;
	(pc) =	sbr.rel @p1 .LBB2_4-.Ltmp1, $4  }
0xe5: {  	[hbm4b:s11+s3] =	stream.linear.scatter [tilespmem:s29], [sflag:$0x7], $0x4000, $0x38;
	[tilespmem:$0x1C328] =	vst v63  }
0xe6: {  	_ =	swait.ge [sflag:s28], $0x4000  }
0xe7: {  	[sflag:s28] =	ssyncset.done $0x0  }
0xe8: {  	s9 =	sadd.s32 $0x200, s9;
	s10 =	sadd.s32 $0x3800, s10;
	[sflag:s28] =	ssyncadd.s32 $0xFFFFC000  }
0xe9: {  	[hbm4b:s10+s3] =	stream.linear.scatter [tilespmem:s31], [sflag:$0x8], $0x4000, $0x38;
	[tilespmem:$0x1C328] =	vst v63  }
0xea: {  	_ =	swait.ge [sflag:s30], $0x4000  }
0xeb: {  	[sflag:s30] =	ssyncset.done $0x0  }
0xec: {  	[sflag:s30] =	ssyncadd.s32 $0xFFFFC000  }
0xed: {  	_ =	swait.ge [sflag:s4], $0x4000  }
0xee: {  	[sflag:s4] =	ssyncset.done $0x0  }
0xef: {  	[sflag:s4] =	ssyncadd.s32 $0xFFFFC000  }
0xf0: {  	_ =	swait.ge [sflag:s5], $0x4000  }
0xf1: {  	[sflag:s5] =	ssyncset.done $0x0  }
0xf2: {  	[sflag:s5] =	ssyncadd.s32 $0xFFFFC000  }
0xf3: {  	_ =	swait.ge [sflag:s6], $0x4000  }
0xf4: {  	s7 =	sadd.s32 $0x1, s7;
	s8 =	rddreg [dreg:$0x8]  }
0xf5: {  	p1 =	sne.s32 s7, s8  }
.Ltmp2:
0xf6: {  	_ = 	snop;
	(pc) =	sbr.rel @p1 .LBB2_1-.Ltmp2, $3  }
0xf7: {  	_ =	sdelay $0x1  }
0xf8: {  	[sflag:s6] =	ssyncset.done $0x0  }
0xf9: {  	[sflag:s6] =	ssyncadd.s32 $0xFFFFC000  }
0xfa: {  	_ =	sfence.sel $0x180000  }
0xfb: {  	[bflag:$0x0] =	sbarrier.arrive $0xFFFF  }
0xfc: {  	_ =	strace $0x90000047  }
0xfd: {  	[bflag:$0x2] =	sbarrier.arrive $0xFFFF  }
0xfe: {  	s0 =	rddreg [dreg:$0x5]  }
0xff: {  	s0 =	sadd.s32 @!p0 $0x100000, s0  }
0x100: {  	[sflag:s0] =	ssyncadd.tile.s32 @!p0 $0x1;
	_ =	shalt  }
.Lfunc_end2:
_tile_overlayer_lowered:
.L_overlay_start_2:
0x101: {  	(tag) =	ssettag $0x2  }
0x102: {  	s0 =	rddreg [dreg:$0x0];
	s2 =	stileid.u32  }
0x103: {  	s1 =	rddreg [dreg:$0x1];
	p0 =	sne.s32 s2, $0x0  }
0x104: {  	s3 =	rddreg [dreg:$0x2];
	[bflag:$0x3] =	sbarrier.arrive $0xFFFF;
	s2 =	simm.s32 @!p0 $0x1C09  }
0x105: {  	[timem:s3], [sflag:s2] =	dma.local @!p0 [hbm:s0], s1  }
0x106: {  	s0 =	simm.s32 @!p0 $0x9  }
0x107: {  	_ =	swait.ge @!p0 [sflag:s0], s1  }
0x108: {  	s1 =	ssub.s32 @!p0 $0x0, s1;
	[sflag:s0] =	ssyncset.done @!p0 $0x0  }
0x109: {  	[sflag:s0] =	ssyncadd.s32 @!p0 s1  }
0x10a: {  	[bflag:$0x3] =	sbarrier.arrive $0xFFFF  }
0x10b: {  	_ =	shalt  }

</sc_bundles>
